<compile_context>
chip_gen: v7x
topology: tpu7x:2x2x1
jax: 0.10.2.dev20260603
libtpu: 0.0.44.dev20260713+nightly
codegen_flags: <defaults>
</compile_context>

<pallas_src>
import functools

import jax
import jax.numpy as jnp
from jax import lax
from jax.experimental import pallas as pl
from jax.experimental.pallas import tpu as pltpu
from jax.experimental.pallas import tpu_sc as plsc

_NE = 1024
_ED = 64
_BETA = 0.25
_TOK = 1024


def _k12_body(x_ref, w1b_ref, b1b_ref, w2_ref, b2_ref, pq_ref, o_ref):
    xb = x_ref[0].reshape(192, 512)
    pq = pq_ref[...]
    xg = [jnp.dot(xb[:, 128 * g:128 * g + 128], pq,
                  preferred_element_type=jnp.float32) for g in range(4)]
    xdx = [jnp.concatenate([xg[g][:, 32 * dx:32 * dx + 32]
                            for g in range(4)], axis=1)
           for dx in range(4)]
    for i in range(4):
        xs = jnp.concatenate([
            jnp.concatenate([xdx[dx][64 * c + 16 * i:64 * c + 16 * i + 16, :]
                             for c in range(3)], axis=0)
            for dx in range(4)], axis=0)
        ht = jnp.dot(w1b_ref[...], xs,
                     preferred_element_type=jnp.float32) + b1b_ref[...]
        ht = jnp.maximum(ht, 0.0)
        htp = jnp.dot(ht, pq, preferred_element_type=jnp.float32)
        b = jnp.concatenate([htp[:, 32 * d:32 * d + 32] for d in range(4)],
                            axis=0)
        h2t = jnp.dot(w2_ref[...], b,
                      preferred_element_type=jnp.float32) + b2_ref[...]
        o_ref[32 * i:32 * i + 32, :] = jnp.transpose(h2t)


def _shift_tokens(hr, dy, dx):
    s = 32 * dy + dx
    if s > 0:
        sh = jnp.concatenate(
            [hr[s:], jnp.zeros((s, hr.shape[1]), jnp.float32)], axis=0)
    elif s < 0:
        sh = jnp.concatenate(
            [jnp.zeros((-s, hr.shape[1]), jnp.float32), hr[:1024 + s]], axis=0)
    else:
        sh = hr
    if dx != 0:
        xo = jax.lax.broadcasted_iota(jnp.int32, (1024, 1), 0) % 32
        valid = (xo + dx >= 0) & (xo + dx < 32)
        sh = jnp.where(valid, sh, 0.0)
    return sh


def _k2_body(h_ref, wr1_ref, wr2_ref, wp_ref, bp_ref,
             ct_ref, csq_ref,
             zf_ref, idx_ref, perp_ref,
             cnt_ref):
    n = pl.program_id(0)

    h = h_ref[...]

    for _ in range(2):
        hr = jnp.maximum(h, 0.0)
        acc = jnp.zeros((1024, 64), jnp.float32)
        k = 0
        for ky in range(3):
            for kx in range(3):
                sh = _shift_tokens(hr, ky - 1, kx - 1)
                acc = acc + jnp.dot(sh, wr1_ref[k],
                                    preferred_element_type=jnp.float32)
                k += 1
        r = jnp.dot(jnp.maximum(acc, 0.0), wr2_ref[...],
                    preferred_element_type=jnp.float32)
        h = h + r

    h = jnp.maximum(h, 0.0)
    zf = jnp.dot(h, wp_ref[...],
                 preferred_element_type=jnp.float32) + bp_ref[...]

    scores = csq_ref[...] - 2.0 * jnp.dot(
        zf, ct_ref[...], preferred_element_type=jnp.float32)
    m = jnp.min(scores, axis=1, keepdims=True)
    jj = jax.lax.broadcasted_iota(jnp.int32, (1024, _NE), 1)
    idx = jnp.min(jnp.where(scores <= m, jj, _NE), axis=1, keepdims=True)

    onehot = (jj == idx).astype(jnp.float32)

    idx_ref[...] = idx[None]
    zf_ref[...] = zf

    @pl.when(n == 0)
    def _():
        cnt_ref[...] = jnp.zeros_like(cnt_ref)

    cnt_ref[...] += jnp.sum(onehot, axis=0, keepdims=True)

    @pl.when(n == pl.num_programs(0) - 1)
    def _():
        e_mean = cnt_ref[...] / (8.0 * _TOK)
        ent = jnp.sum(e_mean * jnp.log(e_mean + 1e-10))
        perp_ref[...] = jnp.full((1, 1), jnp.exp(-ent), jnp.float32)


_SC_CORES = 2
_SC_SUBCORES = 16
_NW = _SC_CORES * _SC_SUBCORES
_BPW = 8 * _TOK // _NW


_SC_CHUNKS = 8
_CPW = _BPW // _SC_CHUNKS


def _sc_gather_body(table_hbm, idx_hbm, out_hbm, *rest):
    idx_vs = rest[:_SC_CHUNKS]
    rows_v = rest[_SC_CHUNKS]
    sems = rest[_SC_CHUNKS + 1:]
    wid = lax.axis_index("s") * _SC_CORES + lax.axis_index("c")
    base = wid * _BPW
    copies = []
    for k in range(_SC_CHUNKS):
        pltpu.sync_copy(idx_hbm.at[pl.ds(base + k * _CPW, _CPW)], idx_vs[k])
        copies.append(pltpu.async_copy(
            table_hbm.at[idx_vs[k]],
            rows_v.at[pl.ds(k * _CPW, _CPW)], sems[k]))
    for c in copies:
        c.wait()
    pltpu.sync_copy(rows_v, out_hbm.at[pl.ds(base, _BPW)])


def _k3_body(zq_ref, zf_ref, zqo_ref, loss_ref, sse_ref):
    n = pl.program_id(0)
    zq1 = zq_ref[:, :_ED]
    zqo_ref[...] = jnp.transpose(zq1)[None]

    @pl.when(n == 0)
    def _():
        sse_ref[0, 0] = 0.0

    sse_ref[0, 0] += jnp.sum((zq1 - zf_ref[...]) ** 2)

    @pl.when(n == pl.num_programs(0) - 1)
    def _():
        loss_ref[...] = jnp.full(
            (1, 1),
            (1.0 + _BETA) * sse_ref[0, 0] / (8.0 * _TOK * _ED), jnp.float32)


def kernel(x, conv1_w, conv1_b, conv2_w, conv2_b, res_w1, res_w2,
           preq_w, preq_b, codebook):
    f32 = jnp.float32

    w1b = jnp.zeros((4, 64, 4, 3, 16), f32)
    w1t = conv1_w.transpose(0, 3, 1, 2)
    for y in range(4):
        w1b = w1b.at[y, :, :, :, 4 * y:4 * y + 4].set(w1t)
    w1b = w1b.reshape(256, 192)
    b1b = jnp.tile(conv1_b, 4).reshape(256, 1)
    w2p = conv2_w.transpose(0, 3, 2, 1).reshape(128, 1024)
    b2p = conv2_b.reshape(128, 1)
    ll = jnp.arange(128)
    pq = jnp.zeros((128, 128), f32).at[ll, 32 * (ll % 4) + ll // 4].set(1.0)

    h2 = pl.pallas_call(
        _k12_body,
        grid=(8, 8),
        in_specs=[
            pl.BlockSpec((1, 3, 64, 512), lambda n, i: (n, 0, i, 0)),
            pl.BlockSpec((256, 192), lambda n, i: (0, 0)),
            pl.BlockSpec((256, 1), lambda n, i: (0, 0)),
            pl.BlockSpec((128, 1024), lambda n, i: (0, 0)),
            pl.BlockSpec((128, 1), lambda n, i: (0, 0)),
            pl.BlockSpec((128, 128), lambda n, i: (0, 0)),
        ],
        out_specs=pl.BlockSpec((128, 128), lambda n, i: (n * 8 + i, 0)),
        out_shape=jax.ShapeDtypeStruct((8192, 128), f32),
    )(x, w1b, b1b, w2p, b2p, pq)

    wr1 = res_w1.transpose(2, 3, 1, 0).reshape(9, 128, 64)
    wr2 = res_w2.reshape(128, 64).T
    wp = preq_w.reshape(64, 128).T
    bp = preq_b.reshape(1, 64)
    ct = codebook.T
    csq = jnp.sum(codebook ** 2, axis=1).reshape(1, _NE)

    zf, idx, perp = pl.pallas_call(
        _k2_body,
        grid=(8,),
        in_specs=[
            pl.BlockSpec((_TOK, 128), lambda n: (n, 0)),
            pl.BlockSpec((9, 128, 64), lambda n: (0, 0, 0)),
            pl.BlockSpec((64, 128), lambda n: (0, 0)),
            pl.BlockSpec((128, 64), lambda n: (0, 0)),
            pl.BlockSpec((1, 64), lambda n: (0, 0)),
            pl.BlockSpec((_ED, _NE), lambda n: (0, 0)),
            pl.BlockSpec((1, _NE), lambda n: (0, 0)),
        ],
        out_specs=[
            pl.BlockSpec((_TOK, _ED), lambda n: (n, 0)),
            pl.BlockSpec((1, _TOK, 1), lambda n: (n, 0, 0)),
            pl.BlockSpec((1, 1), lambda n: (0, 0)),
        ],
        out_shape=[
            jax.ShapeDtypeStruct((8 * _TOK, _ED), f32),
            jax.ShapeDtypeStruct((8, _TOK, 1), jnp.int32),
            jax.ShapeDtypeStruct((1, 1), f32),
        ],
        scratch_shapes=[
            pltpu.VMEM((1, _NE), f32),
        ],
    )(h2, wr1, wr2, wp, bp, ct, csq)

    idx_flat = idx.reshape(8 * _TOK)

    sc_gather = functools.partial(
        pl.kernel,
        mesh=plsc.VectorSubcoreMesh(core_axis_name="c", subcore_axis_name="s"),
        out_type=jax.ShapeDtypeStruct((8 * _TOK, 128), f32),
        scratch_types=(
            [pltpu.VMEM((_CPW,), jnp.int32) for _ in range(_SC_CHUNKS)]
            + [pltpu.VMEM((_BPW, 128), f32)]
            + [pltpu.SemaphoreType.DMA for _ in range(_SC_CHUNKS)]
        ),
    )(_sc_gather_body)
    cb_pad = jnp.pad(codebook, ((0, 0), (0, 128 - _ED)))
    zq1 = sc_gather(cb_pad, idx_flat)

    zq, loss = pl.pallas_call(
        _k3_body,
        grid=(8,),
        in_specs=[
            pl.BlockSpec((_TOK, 128), lambda n: (n, 0)),
            pl.BlockSpec((_TOK, _ED), lambda n: (n, 0)),
        ],
        out_specs=[
            pl.BlockSpec((1, _ED, _TOK), lambda n: (n, 0, 0)),
            pl.BlockSpec((1, 1), lambda n: (0, 0)),
        ],
        out_shape=[
            jax.ShapeDtypeStruct((8, _ED, _TOK), f32),
            jax.ShapeDtypeStruct((1, 1), f32),
        ],
        scratch_shapes=[
            pltpu.SMEM((1, 1), f32),
        ],
    )(zq1, zf)

    z_q = zq.reshape(8, _ED, 32, 32)
    idx_out = idx.reshape(8 * _TOK, 1)
    return (loss[0, 0], z_q, perp[0, 0], codebook, idx_out)

# --- scband reference (transcript-rebuilt; emitter-appended) ---
"""Pipeline reference for scband-vqvae-gcn-76261439307888 (READ-ONLY COPY).

The authoritative reference and input builder live on the scoring server;
editing this copy changes nothing except your own understanding.
"""

import jax, jax.numpy as jnp
import numpy as np

H_DIM = 128
RES_H_DIM = 64
N_RES_LAYERS = 2
N_E = 1024
E_DIM = 64
BETA = 0.25


def conv2d(x, w, b=None, stride=1, padding=0):
    out = jax.lax.conv_general_dilated(
        x, w, (stride, stride), [(padding, padding), (padding, padding)],
        dimension_numbers=('NCHW', 'OIHW', 'NCHW'))
    if b is not None:
        out = out + b[None, :, None, None]
    return out


def setup_inputs(seed: int = 0) -> dict:
    key = jax.random.key(seed)
    ks = jax.random.split(key, 10)
    x = jax.random.normal(ks[0], (8, 3, 512, 512), dtype=jnp.float32)
    conv1_w = jax.random.normal(ks[1], (H_DIM // 2, 3, 4, 4), dtype=jnp.float32) * 0.02
    conv1_b = jnp.zeros((H_DIM // 2,), dtype=jnp.float32)
    conv2_w = jax.random.normal(ks[2], (H_DIM, H_DIM // 2, 4, 4), dtype=jnp.float32) * 0.02
    conv2_b = jnp.zeros((H_DIM,), dtype=jnp.float32)
    res_w1 = jax.random.normal(ks[3], (RES_H_DIM, H_DIM, 3, 3), dtype=jnp.float32) * 0.02
    res_w2 = jax.random.normal(ks[4], (H_DIM, RES_H_DIM, 1, 1), dtype=jnp.float32) * 0.02
    preq_w = jax.random.normal(ks[5], (E_DIM, H_DIM, 1, 1), dtype=jnp.float32) * 0.02
    preq_b = jnp.zeros((E_DIM,), dtype=jnp.float32)
    # faithful to torch: self.embedding.weight.data.fill_(1.0)
    codebook = jnp.ones((N_E, E_DIM), dtype=jnp.float32)
    return {
        'x': x, 'conv1_w': conv1_w, 'conv1_b': conv1_b,
        'conv2_w': conv2_w, 'conv2_b': conv2_b,
        'res_w1': res_w1, 'res_w2': res_w2,
        'preq_w': preq_w, 'preq_b': preq_b, 'codebook': codebook,
    }


def reference(x, conv1_w, conv1_b, conv2_w, conv2_b, res_w1, res_w2, preq_w, preq_b, codebook):
    # Encoder
    h = jax.nn.relu(conv2d(x, conv1_w, conv1_b, stride=4, padding=0))
    h = conv2d(h, conv2_w, conv2_b, stride=4, padding=0)
    # ResidualStack: ModuleList([layer]*n) shares the SAME weights across layers
    for _ in range(N_RES_LAYERS):
        r = jax.nn.relu(h)
        r = conv2d(r, res_w1, None, stride=1, padding=1)
        r = jax.nn.relu(r)
        r = conv2d(r, res_w2, None, stride=1, padding=0)
        h = h + r
    h = jax.nn.relu(h)  # ResidualStack final relu
    h = jax.nn.relu(h)  # Encoder conv_stack trailing ReLU
    z_e = conv2d(h, preq_w, preq_b, stride=1, padding=0)
    # VectorQuantizer1
    z = jnp.transpose(z_e, (0, 2, 3, 1))
    zf = z.reshape(-1, E_DIM)
    d = (jnp.sum(zf ** 2, axis=1, keepdims=True)
         + jnp.sum(codebook ** 2, axis=1)
         - 2.0 * zf @ codebook.T)
    idx = jnp.argmin(d, axis=1)
    onehot = jax.nn.one_hot(idx, N_E, dtype=zf.dtype)
    z_q1 = (onehot @ codebook).reshape(z.shape)
    loss = jnp.mean((z_q1 - z) ** 2) + BETA * jnp.mean((z_q1 - jax.lax.stop_gradient(z)) ** 2)
    z_q = z + (z_q1 - jax.lax.stop_gradient(z))
    e_mean = jnp.mean(onehot, axis=0)
    perplexity = jnp.exp(-jnp.sum(e_mean * jnp.log(e_mean + 1e-10)))
    z_q = jnp.transpose(z_q, (0, 3, 1, 2))
    return (loss, z_q, perplexity, codebook, idx[:, None])

if __name__ == "__main__":
    import jax
    _d = setup_inputs()
    print(jax.jit(kernel)(*tuple(_d.values())))

</pallas_src>

<mosaic_0001>
#map = affine_map<(d0, d1) -> (0, 0)>
#map1 = affine_map<(d0, d1) -> (0)>
module attributes {stable_mosaic.version = 14 : i64} {
  func.func @_sc_gather_body(%arg0: i32, %arg1: i32, %arg2: memref<1024x128xf32, #tpu.memory_space<hbm>>, %arg3: memref<8192xi32, #tpu.memory_space<hbm>>, %arg4: memref<8192x128xf32, #tpu.memory_space<hbm>>, %arg5: memref<32xi32, #tpu.memory_space<vmem>>, %arg6: memref<32xi32, #tpu.memory_space<vmem>>, %arg7: memref<32xi32, #tpu.memory_space<vmem>>, %arg8: memref<32xi32, #tpu.memory_space<vmem>>, %arg9: memref<32xi32, #tpu.memory_space<vmem>>, %arg10: memref<32xi32, #tpu.memory_space<vmem>>, %arg11: memref<32xi32, #tpu.memory_space<vmem>>, %arg12: memref<32xi32, #tpu.memory_space<vmem>>, %arg13: memref<256x128xf32, #tpu.memory_space<vmem>>, %arg14: memref<!tpu.dma_semaphore, #tpu.memory_space<semaphore_mem>>, %arg15: memref<!tpu.dma_semaphore, #tpu.memory_space<semaphore_mem>>, %arg16: memref<!tpu.dma_semaphore, #tpu.memory_space<semaphore_mem>>, %arg17: memref<!tpu.dma_semaphore, #tpu.memory_space<semaphore_mem>>, %arg18: memref<!tpu.dma_semaphore, #tpu.memory_space<semaphore_mem>>, %arg19: memref<!tpu.dma_semaphore, #tpu.memory_space<semaphore_mem>>, %arg20: memref<!tpu.dma_semaphore, #tpu.memory_space<semaphore_mem>>, %arg21: memref<!tpu.dma_semaphore, #tpu.memory_space<semaphore_mem>>) attributes {dimension_semantics = [#tpu.dimension_semantics<core_parallel>, #tpu.dimension_semantics<subcore_parallel>], iteration_bounds = array<i64: 2, 16>, scalar_prefetch = 0 : i64, scratch_operands = 17 : i64, tpu.core_type = #tpu.core_type<sc_vector_subcore>, window_params = [{transform_indices = #map}, {transform_indices = #map1}, {transform_indices = #map}]} {
    %mul3A = arith.constant 2 : i32
    %mul3A_0 = arith.muli %arg1, %mul3A : i32
    %add3A = arith.addi %mul3A_0, %arg0 : i32
    %mul3A_1 = arith.constant 256 : i32
    %mul3A_2 = arith.muli %add3A, %mul3A_1 : i32
    %add3A_3 = arith.constant 0 : i32
    %add3A_4 = arith.addi %mul3A_2, %add3A_3 : i32
    "tpu.region"() ({
      %run_scoped3A = tpu.sem_alloc : memref<!tpu.dma_semaphore, #tpu.memory_space<semaphore_mem>>
      %dma_start3A_113 = tpu.memref_slice %arg3[%add3A_4] : memref<8192xi32, #tpu.memory_space<hbm>> -> memref<32xi32, #tpu.memory_space<hbm>>
      %dma_start3A_114 = tpu.memref_slice %arg3[%add3A_4] : memref<8192xi32, #tpu.memory_space<hbm>> -> memref<32xi32, #tpu.memory_space<hbm>>
      tpu.enqueue_dma source(%dma_start3A_114 : memref<32xi32, #tpu.memory_space<hbm>>) target(%arg5 : memref<32xi32, #tpu.memory_space<vmem>>) target_semaphore(%run_scoped3A : memref<!tpu.dma_semaphore, #tpu.memory_space<semaphore_mem>>)
      %dma_wait3A_115 = tpu.memref_slice %arg3[%add3A_4] : memref<8192xi32, #tpu.memory_space<hbm>> -> memref<32xi32, #tpu.memory_space<hbm>>
      %dma_wait3A_116 = tpu.memref_slice %arg3[%add3A_4] : memref<8192xi32, #tpu.memory_space<hbm>> -> memref<32xi32, #tpu.memory_space<hbm>>
      tpu.wait_dma2 semaphore(%run_scoped3A : memref<!tpu.dma_semaphore, #tpu.memory_space<semaphore_mem>>) src(%dma_wait3A_116 : memref<32xi32, #tpu.memory_space<hbm>>) dst(%arg5 : memref<32xi32, #tpu.memory_space<vmem>>)
      tpu.yield
    }) : () -> ()
    %dma_start3A = arith.constant 0 : i32
    %dma_start3A_5 = arith.constant 0 : i32
    %dma_start3A_6 = tpu.memref_slice %arg13[%dma_start3A, %dma_start3A_5] : memref<256x128xf32, #tpu.memory_space<vmem>> -> memref<32x128xf32, #tpu.memory_space<vmem>>
    %dma_start3A_7 = arith.constant 0 : i32
    %dma_start3A_8 = arith.constant 0 : i32
    %dma_start3A_9 = tpu.memref_slice %arg2[%dma_start3A_7, %dma_start3A_8] : memref<1024x128xf32, #tpu.memory_space<hbm>> -> memref<1024x128xf32, #tpu.memory_space<hbm>>
    tpu.enqueue_indirect_dma source(%dma_start3A_9 : memref<1024x128xf32, #tpu.memory_space<hbm>>) target(%dma_start3A_6 : memref<32x128xf32, #tpu.memory_space<vmem>>) offsets(%arg5 : memref<32xi32, #tpu.memory_space<vmem>>) semaphore(%arg14 : memref<!tpu.dma_semaphore, #tpu.memory_space<semaphore_mem>>)
    %add3A_10 = arith.constant 32 : i32
    %add3A_11 = arith.addi %mul3A_2, %add3A_10 : i32
    "tpu.region"() ({
      %run_scoped3A = tpu.sem_alloc : memref<!tpu.dma_semaphore, #tpu.memory_space<semaphore_mem>>
      %dma_start3A_113 = tpu.memref_slice %arg3[%add3A_11] : memref<8192xi32, #tpu.memory_space<hbm>> -> memref<32xi32, #tpu.memory_space<hbm>>
      %dma_start3A_114 = tpu.memref_slice %arg3[%add3A_11] : memref<8192xi32, #tpu.memory_space<hbm>> -> memref<32xi32, #tpu.memory_space<hbm>>
      tpu.enqueue_dma source(%dma_start3A_114 : memref<32xi32, #tpu.memory_space<hbm>>) target(%arg6 : memref<32xi32, #tpu.memory_space<vmem>>) target_semaphore(%run_scoped3A : memref<!tpu.dma_semaphore, #tpu.memory_space<semaphore_mem>>)
      %dma_wait3A_115 = tpu.memref_slice %arg3[%add3A_11] : memref<8192xi32, #tpu.memory_space<hbm>> -> memref<32xi32, #tpu.memory_space<hbm>>
      %dma_wait3A_116 = tpu.memref_slice %arg3[%add3A_11] : memref<8192xi32, #tpu.memory_space<hbm>> -> memref<32xi32, #tpu.memory_space<hbm>>
      tpu.wait_dma2 semaphore(%run_scoped3A : memref<!tpu.dma_semaphore, #tpu.memory_space<semaphore_mem>>) src(%dma_wait3A_116 : memref<32xi32, #tpu.memory_space<hbm>>) dst(%arg6 : memref<32xi32, #tpu.memory_space<vmem>>)
      tpu.yield
    }) : () -> ()
    %dma_start3A_12 = arith.constant 32 : i32
    %dma_start3A_13 = arith.constant 0 : i32
    %dma_start3A_14 = tpu.memref_slice %arg13[%dma_start3A_12, %dma_start3A_13] : memref<256x128xf32, #tpu.memory_space<vmem>> -> memref<32x128xf32, #tpu.memory_space<vmem>>
    %dma_start3A_15 = arith.constant 0 : i32
    %dma_start3A_16 = arith.constant 0 : i32
    %dma_start3A_17 = tpu.memref_slice %arg2[%dma_start3A_15, %dma_start3A_16] : memref<1024x128xf32, #tpu.memory_space<hbm>> -> memref<1024x128xf32, #tpu.memory_space<hbm>>
    tpu.enqueue_indirect_dma source(%dma_start3A_17 : memref<1024x128xf32, #tpu.memory_space<hbm>>) target(%dma_start3A_14 : memref<32x128xf32, #tpu.memory_space<vmem>>) offsets(%arg6 : memref<32xi32, #tpu.memory_space<vmem>>) semaphore(%arg15 : memref<!tpu.dma_semaphore, #tpu.memory_space<semaphore_mem>>)
    %add3A_18 = arith.constant 64 : i32
    %add3A_19 = arith.addi %mul3A_2, %add3A_18 : i32
    "tpu.region"() ({
      %run_scoped3A = tpu.sem_alloc : memref<!tpu.dma_semaphore, #tpu.memory_space<semaphore_mem>>
      %dma_start3A_113 = tpu.memref_slice %arg3[%add3A_19] : memref<8192xi32, #tpu.memory_space<hbm>> -> memref<32xi32, #tpu.memory_space<hbm>>
      %dma_start3A_114 = tpu.memref_slice %arg3[%add3A_19] : memref<8192xi32, #tpu.memory_space<hbm>> -> memref<32xi32, #tpu.memory_space<hbm>>
      tpu.enqueue_dma source(%dma_start3A_114 : memref<32xi32, #tpu.memory_space<hbm>>) target(%arg7 : memref<32xi32, #tpu.memory_space<vmem>>) target_semaphore(%run_scoped3A : memref<!tpu.dma_semaphore, #tpu.memory_space<semaphore_mem>>)
      %dma_wait3A_115 = tpu.memref_slice %arg3[%add3A_19] : memref<8192xi32, #tpu.memory_space<hbm>> -> memref<32xi32, #tpu.memory_space<hbm>>
      %dma_wait3A_116 = tpu.memref_slice %arg3[%add3A_19] : memref<8192xi32, #tpu.memory_space<hbm>> -> memref<32xi32, #tpu.memory_space<hbm>>
      tpu.wait_dma2 semaphore(%run_scoped3A : memref<!tpu.dma_semaphore, #tpu.memory_space<semaphore_mem>>) src(%dma_wait3A_116 : memref<32xi32, #tpu.memory_space<hbm>>) dst(%arg7 : memref<32xi32, #tpu.memory_space<vmem>>)
      tpu.yield
    }) : () -> ()
    %dma_start3A_20 = arith.constant 64 : i32
    %dma_start3A_21 = arith.constant 0 : i32
    %dma_start3A_22 = tpu.memref_slice %arg13[%dma_start3A_20, %dma_start3A_21] : memref<256x128xf32, #tpu.memory_space<vmem>> -> memref<32x128xf32, #tpu.memory_space<vmem>>
    %dma_start3A_23 = arith.constant 0 : i32
    %dma_start3A_24 = arith.constant 0 : i32
    %dma_start3A_25 = tpu.memref_slice %arg2[%dma_start3A_23, %dma_start3A_24] : memref<1024x128xf32, #tpu.memory_space<hbm>> -> memref<1024x128xf32, #tpu.memory_space<hbm>>
    tpu.enqueue_indirect_dma source(%dma_start3A_25 : memref<1024x128xf32, #tpu.memory_space<hbm>>) target(%dma_start3A_22 : memref<32x128xf32, #tpu.memory_space<vmem>>) offsets(%arg7 : memref<32xi32, #tpu.memory_space<vmem>>) semaphore(%arg16 : memref<!tpu.dma_semaphore, #tpu.memory_space<semaphore_mem>>)
    %add3A_26 = arith.constant 96 : i32
    %add3A_27 = arith.addi %mul3A_2, %add3A_26 : i32
    "tpu.region"() ({
      %run_scoped3A = tpu.sem_alloc : memref<!tpu.dma_semaphore, #tpu.memory_space<semaphore_mem>>
      %dma_start3A_113 = tpu.memref_slice %arg3[%add3A_27] : memref<8192xi32, #tpu.memory_space<hbm>> -> memref<32xi32, #tpu.memory_space<hbm>>
      %dma_start3A_114 = tpu.memref_slice %arg3[%add3A_27] : memref<8192xi32, #tpu.memory_space<hbm>> -> memref<32xi32, #tpu.memory_space<hbm>>
      tpu.enqueue_dma source(%dma_start3A_114 : memref<32xi32, #tpu.memory_space<hbm>>) target(%arg8 : memref<32xi32, #tpu.memory_space<vmem>>) target_semaphore(%run_scoped3A : memref<!tpu.dma_semaphore, #tpu.memory_space<semaphore_mem>>)
      %dma_wait3A_115 = tpu.memref_slice %arg3[%add3A_27] : memref<8192xi32, #tpu.memory_space<hbm>> -> memref<32xi32, #tpu.memory_space<hbm>>
      %dma_wait3A_116 = tpu.memref_slice %arg3[%add3A_27] : memref<8192xi32, #tpu.memory_space<hbm>> -> memref<32xi32, #tpu.memory_space<hbm>>
      tpu.wait_dma2 semaphore(%run_scoped3A : memref<!tpu.dma_semaphore, #tpu.memory_space<semaphore_mem>>) src(%dma_wait3A_116 : memref<32xi32, #tpu.memory_space<hbm>>) dst(%arg8 : memref<32xi32, #tpu.memory_space<vmem>>)
      tpu.yield
    }) : () -> ()
    %dma_start3A_28 = arith.constant 96 : i32
    %dma_start3A_29 = arith.constant 0 : i32
    %dma_start3A_30 = tpu.memref_slice %arg13[%dma_start3A_28, %dma_start3A_29] : memref<256x128xf32, #tpu.memory_space<vmem>> -> memref<32x128xf32, #tpu.memory_space<vmem>>
    %dma_start3A_31 = arith.constant 0 : i32
    %dma_start3A_32 = arith.constant 0 : i32
    %dma_start3A_33 = tpu.memref_slice %arg2[%dma_start3A_31, %dma_start3A_32] : memref<1024x128xf32, #tpu.memory_space<hbm>> -> memref<1024x128xf32, #tpu.memory_space<hbm>>
    tpu.enqueue_indirect_dma source(%dma_start3A_33 : memref<1024x128xf32, #tpu.memory_space<hbm>>) target(%dma_start3A_30 : memref<32x128xf32, #tpu.memory_space<vmem>>) offsets(%arg8 : memref<32xi32, #tpu.memory_space<vmem>>) semaphore(%arg17 : memref<!tpu.dma_semaphore, #tpu.memory_space<semaphore_mem>>)
    %add3A_34 = arith.constant 128 : i32
    %add3A_35 = arith.addi %mul3A_2, %add3A_34 : i32
    "tpu.region"() ({
      %run_scoped3A = tpu.sem_alloc : memref<!tpu.dma_semaphore, #tpu.memory_space<semaphore_mem>>
      %dma_start3A_113 = tpu.memref_slice %arg3[%add3A_35] : memref<8192xi32, #tpu.memory_space<hbm>> -> memref<32xi32, #tpu.memory_space<hbm>>
      %dma_start3A_114 = tpu.memref_slice %arg3[%add3A_35] : memref<8192xi32, #tpu.memory_space<hbm>> -> memref<32xi32, #tpu.memory_space<hbm>>
      tpu.enqueue_dma source(%dma_start3A_114 : memref<32xi32, #tpu.memory_space<hbm>>) target(%arg9 : memref<32xi32, #tpu.memory_space<vmem>>) target_semaphore(%run_scoped3A : memref<!tpu.dma_semaphore, #tpu.memory_space<semaphore_mem>>)
      %dma_wait3A_115 = tpu.memref_slice %arg3[%add3A_35] : memref<8192xi32, #tpu.memory_space<hbm>> -> memref<32xi32, #tpu.memory_space<hbm>>
      %dma_wait3A_116 = tpu.memref_slice %arg3[%add3A_35] : memref<8192xi32, #tpu.memory_space<hbm>> -> memref<32xi32, #tpu.memory_space<hbm>>
      tpu.wait_dma2 semaphore(%run_scoped3A : memref<!tpu.dma_semaphore, #tpu.memory_space<semaphore_mem>>) src(%dma_wait3A_116 : memref<32xi32, #tpu.memory_space<hbm>>) dst(%arg9 : memref<32xi32, #tpu.memory_space<vmem>>)
      tpu.yield
    }) : () -> ()
    %dma_start3A_36 = arith.constant 128 : i32
    %dma_start3A_37 = arith.constant 0 : i32
    %dma_start3A_38 = tpu.memref_slice %arg13[%dma_start3A_36, %dma_start3A_37] : memref<256x128xf32, #tpu.memory_space<vmem>> -> memref<32x128xf32, #tpu.memory_space<vmem>>
    %dma_start3A_39 = arith.constant 0 : i32
    %dma_start3A_40 = arith.constant 0 : i32
    %dma_start3A_41 = tpu.memref_slice %arg2[%dma_start3A_39, %dma_start3A_40] : memref<1024x128xf32, #tpu.memory_space<hbm>> -> memref<1024x128xf32, #tpu.memory_space<hbm>>
    tpu.enqueue_indirect_dma source(%dma_start3A_41 : memref<1024x128xf32, #tpu.memory_space<hbm>>) target(%dma_start3A_38 : memref<32x128xf32, #tpu.memory_space<vmem>>) offsets(%arg9 : memref<32xi32, #tpu.memory_space<vmem>>) semaphore(%arg18 : memref<!tpu.dma_semaphore, #tpu.memory_space<semaphore_mem>>)
    %add3A_42 = arith.constant 160 : i32
    %add3A_43 = arith.addi %mul3A_2, %add3A_42 : i32
    "tpu.region"() ({
      %run_scoped3A = tpu.sem_alloc : memref<!tpu.dma_semaphore, #tpu.memory_space<semaphore_mem>>
      %dma_start3A_113 = tpu.memref_slice %arg3[%add3A_43] : memref<8192xi32, #tpu.memory_space<hbm>> -> memref<32xi32, #tpu.memory_space<hbm>>
      %dma_start3A_114 = tpu.memref_slice %arg3[%add3A_43] : memref<8192xi32, #tpu.memory_space<hbm>> -> memref<32xi32, #tpu.memory_space<hbm>>
      tpu.enqueue_dma source(%dma_start3A_114 : memref<32xi32, #tpu.memory_space<hbm>>) target(%arg10 : memref<32xi32, #tpu.memory_space<vmem>>) target_semaphore(%run_scoped3A : memref<!tpu.dma_semaphore, #tpu.memory_space<semaphore_mem>>)
      %dma_wait3A_115 = tpu.memref_slice %arg3[%add3A_43] : memref<8192xi32, #tpu.memory_space<hbm>> -> memref<32xi32, #tpu.memory_space<hbm>>
      %dma_wait3A_116 = tpu.memref_slice %arg3[%add3A_43] : memref<8192xi32, #tpu.memory_space<hbm>> -> memref<32xi32, #tpu.memory_space<hbm>>
      tpu.wait_dma2 semaphore(%run_scoped3A : memref<!tpu.dma_semaphore, #tpu.memory_space<semaphore_mem>>) src(%dma_wait3A_116 : memref<32xi32, #tpu.memory_space<hbm>>) dst(%arg10 : memref<32xi32, #tpu.memory_space<vmem>>)
      tpu.yield
    }) : () -> ()
    %dma_start3A_44 = arith.constant 160 : i32
    %dma_start3A_45 = arith.constant 0 : i32
    %dma_start3A_46 = tpu.memref_slice %arg13[%dma_start3A_44, %dma_start3A_45] : memref<256x128xf32, #tpu.memory_space<vmem>> -> memref<32x128xf32, #tpu.memory_space<vmem>>
    %dma_start3A_47 = arith.constant 0 : i32
    %dma_start3A_48 = arith.constant 0 : i32
    %dma_start3A_49 = tpu.memref_slice %arg2[%dma_start3A_47, %dma_start3A_48] : memref<1024x128xf32, #tpu.memory_space<hbm>> -> memref<1024x128xf32, #tpu.memory_space<hbm>>
    tpu.enqueue_indirect_dma source(%dma_start3A_49 : memref<1024x128xf32, #tpu.memory_space<hbm>>) target(%dma_start3A_46 : memref<32x128xf32, #tpu.memory_space<vmem>>) offsets(%arg10 : memref<32xi32, #tpu.memory_space<vmem>>) semaphore(%arg19 : memref<!tpu.dma_semaphore, #tpu.memory_space<semaphore_mem>>)
    %add3A_50 = arith.constant 192 : i32
    %add3A_51 = arith.addi %mul3A_2, %add3A_50 : i32
    "tpu.region"() ({
      %run_scoped3A = tpu.sem_alloc : memref<!tpu.dma_semaphore, #tpu.memory_space<semaphore_mem>>
      %dma_start3A_113 = tpu.memref_slice %arg3[%add3A_51] : memref<8192xi32, #tpu.memory_space<hbm>> -> memref<32xi32, #tpu.memory_space<hbm>>
      %dma_start3A_114 = tpu.memref_slice %arg3[%add3A_51] : memref<8192xi32, #tpu.memory_space<hbm>> -> memref<32xi32, #tpu.memory_space<hbm>>
      tpu.enqueue_dma source(%dma_start3A_114 : memref<32xi32, #tpu.memory_space<hbm>>) target(%arg11 : memref<32xi32, #tpu.memory_space<vmem>>) target_semaphore(%run_scoped3A : memref<!tpu.dma_semaphore, #tpu.memory_space<semaphore_mem>>)
      %dma_wait3A_115 = tpu.memref_slice %arg3[%add3A_51] : memref<8192xi32, #tpu.memory_space<hbm>> -> memref<32xi32, #tpu.memory_space<hbm>>
      %dma_wait3A_116 = tpu.memref_slice %arg3[%add3A_51] : memref<8192xi32, #tpu.memory_space<hbm>> -> memref<32xi32, #tpu.memory_space<hbm>>
      tpu.wait_dma2 semaphore(%run_scoped3A : memref<!tpu.dma_semaphore, #tpu.memory_space<semaphore_mem>>) src(%dma_wait3A_116 : memref<32xi32, #tpu.memory_space<hbm>>) dst(%arg11 : memref<32xi32, #tpu.memory_space<vmem>>)
      tpu.yield
    }) : () -> ()
    %dma_start3A_52 = arith.constant 192 : i32
    %dma_start3A_53 = arith.constant 0 : i32
    %dma_start3A_54 = tpu.memref_slice %arg13[%dma_start3A_52, %dma_start3A_53] : memref<256x128xf32, #tpu.memory_space<vmem>> -> memref<32x128xf32, #tpu.memory_space<vmem>>
    %dma_start3A_55 = arith.constant 0 : i32
    %dma_start3A_56 = arith.constant 0 : i32
    %dma_start3A_57 = tpu.memref_slice %arg2[%dma_start3A_55, %dma_start3A_56] : memref<1024x128xf32, #tpu.memory_space<hbm>> -> memref<1024x128xf32, #tpu.memory_space<hbm>>
    tpu.enqueue_indirect_dma source(%dma_start3A_57 : memref<1024x128xf32, #tpu.memory_space<hbm>>) target(%dma_start3A_54 : memref<32x128xf32, #tpu.memory_space<vmem>>) offsets(%arg11 : memref<32xi32, #tpu.memory_space<vmem>>) semaphore(%arg20 : memref<!tpu.dma_semaphore, #tpu.memory_space<semaphore_mem>>)
    %add3A_58 = arith.constant 224 : i32
    %add3A_59 = arith.addi %mul3A_2, %add3A_58 : i32
    "tpu.region"() ({
      %run_scoped3A = tpu.sem_alloc : memref<!tpu.dma_semaphore, #tpu.memory_space<semaphore_mem>>
      %dma_start3A_113 = tpu.memref_slice %arg3[%add3A_59] : memref<8192xi32, #tpu.memory_space<hbm>> -> memref<32xi32, #tpu.memory_space<hbm>>
      %dma_start3A_114 = tpu.memref_slice %arg3[%add3A_59] : memref<8192xi32, #tpu.memory_space<hbm>> -> memref<32xi32, #tpu.memory_space<hbm>>
      tpu.enqueue_dma source(%dma_start3A_114 : memref<32xi32, #tpu.memory_space<hbm>>) target(%arg12 : memref<32xi32, #tpu.memory_space<vmem>>) target_semaphore(%run_scoped3A : memref<!tpu.dma_semaphore, #tpu.memory_space<semaphore_mem>>)
      %dma_wait3A_115 = tpu.memref_slice %arg3[%add3A_59] : memref<8192xi32, #tpu.memory_space<hbm>> -> memref<32xi32, #tpu.memory_space<hbm>>
      %dma_wait3A_116 = tpu.memref_slice %arg3[%add3A_59] : memref<8192xi32, #tpu.memory_space<hbm>> -> memref<32xi32, #tpu.memory_space<hbm>>
      tpu.wait_dma2 semaphore(%run_scoped3A : memref<!tpu.dma_semaphore, #tpu.memory_space<semaphore_mem>>) src(%dma_wait3A_116 : memref<32xi32, #tpu.memory_space<hbm>>) dst(%arg12 : memref<32xi32, #tpu.memory_space<vmem>>)
      tpu.yield
    }) : () -> ()
    %dma_start3A_60 = arith.constant 224 : i32
    %dma_start3A_61 = arith.constant 0 : i32
    %dma_start3A_62 = tpu.memref_slice %arg13[%dma_start3A_60, %dma_start3A_61] : memref<256x128xf32, #tpu.memory_space<vmem>> -> memref<32x128xf32, #tpu.memory_space<vmem>>
    %dma_start3A_63 = arith.constant 0 : i32
    %dma_start3A_64 = arith.constant 0 : i32
    %dma_start3A_65 = tpu.memref_slice %arg2[%dma_start3A_63, %dma_start3A_64] : memref<1024x128xf32, #tpu.memory_space<hbm>> -> memref<1024x128xf32, #tpu.memory_space<hbm>>
    tpu.enqueue_indirect_dma source(%dma_start3A_65 : memref<1024x128xf32, #tpu.memory_space<hbm>>) target(%dma_start3A_62 : memref<32x128xf32, #tpu.memory_space<vmem>>) offsets(%arg12 : memref<32xi32, #tpu.memory_space<vmem>>) semaphore(%arg21 : memref<!tpu.dma_semaphore, #tpu.memory_space<semaphore_mem>>)
    %dma_wait3A = arith.constant 0 : i32
    %dma_wait3A_66 = arith.constant 0 : i32
    %dma_wait3A_67 = tpu.memref_slice %arg13[%dma_wait3A, %dma_wait3A_66] : memref<256x128xf32, #tpu.memory_space<vmem>> -> memref<32x128xf32, #tpu.memory_space<vmem>>
    %dma_wait3A_68 = arith.constant 0 : i32
    %dma_wait3A_69 = arith.constant 0 : i32
    %dma_wait3A_70 = tpu.memref_slice %arg2[%dma_wait3A_68, %dma_wait3A_69] : memref<1024x128xf32, #tpu.memory_space<hbm>> -> memref<1024x128xf32, #tpu.memory_space<hbm>>
    tpu.wait_indirect_dma semaphore(%arg14 : memref<!tpu.dma_semaphore, #tpu.memory_space<semaphore_mem>>) src(%dma_wait3A_70 : memref<1024x128xf32, #tpu.memory_space<hbm>>) dst(%dma_wait3A_67 : memref<32x128xf32, #tpu.memory_space<vmem>>)
    %dma_wait3A_71 = arith.constant 32 : i32
    %dma_wait3A_72 = arith.constant 0 : i32
    %dma_wait3A_73 = tpu.memref_slice %arg13[%dma_wait3A_71, %dma_wait3A_72] : memref<256x128xf32, #tpu.memory_space<vmem>> -> memref<32x128xf32, #tpu.memory_space<vmem>>
    %dma_wait3A_74 = arith.constant 0 : i32
    %dma_wait3A_75 = arith.constant 0 : i32
    %dma_wait3A_76 = tpu.memref_slice %arg2[%dma_wait3A_74, %dma_wait3A_75] : memref<1024x128xf32, #tpu.memory_space<hbm>> -> memref<1024x128xf32, #tpu.memory_space<hbm>>
    tpu.wait_indirect_dma semaphore(%arg15 : memref<!tpu.dma_semaphore, #tpu.memory_space<semaphore_mem>>) src(%dma_wait3A_76 : memref<1024x128xf32, #tpu.memory_space<hbm>>) dst(%dma_wait3A_73 : memref<32x128xf32, #tpu.memory_space<vmem>>)
    %dma_wait3A_77 = arith.constant 64 : i32
    %dma_wait3A_78 = arith.constant 0 : i32
    %dma_wait3A_79 = tpu.memref_slice %arg13[%dma_wait3A_77, %dma_wait3A_78] : memref<256x128xf32, #tpu.memory_space<vmem>> -> memref<32x128xf32, #tpu.memory_space<vmem>>
    %dma_wait3A_80 = arith.constant 0 : i32
    %dma_wait3A_81 = arith.constant 0 : i32
    %dma_wait3A_82 = tpu.memref_slice %arg2[%dma_wait3A_80, %dma_wait3A_81] : memref<1024x128xf32, #tpu.memory_space<hbm>> -> memref<1024x128xf32, #tpu.memory_space<hbm>>
    tpu.wait_indirect_dma semaphore(%arg16 : memref<!tpu.dma_semaphore, #tpu.memory_space<semaphore_mem>>) src(%dma_wait3A_82 : memref<1024x128xf32, #tpu.memory_space<hbm>>) dst(%dma_wait3A_79 : memref<32x128xf32, #tpu.memory_space<vmem>>)
    %dma_wait3A_83 = arith.constant 96 : i32
    %dma_wait3A_84 = arith.constant 0 : i32
    %dma_wait3A_85 = tpu.memref_slice %arg13[%dma_wait3A_83, %dma_wait3A_84] : memref<256x128xf32, #tpu.memory_space<vmem>> -> memref<32x128xf32, #tpu.memory_space<vmem>>
    %dma_wait3A_86 = arith.constant 0 : i32
    %dma_wait3A_87 = arith.constant 0 : i32
    %dma_wait3A_88 = tpu.memref_slice %arg2[%dma_wait3A_86, %dma_wait3A_87] : memref<1024x128xf32, #tpu.memory_space<hbm>> -> memref<1024x128xf32, #tpu.memory_space<hbm>>
    tpu.wait_indirect_dma semaphore(%arg17 : memref<!tpu.dma_semaphore, #tpu.memory_space<semaphore_mem>>) src(%dma_wait3A_88 : memref<1024x128xf32, #tpu.memory_space<hbm>>) dst(%dma_wait3A_85 : memref<32x128xf32, #tpu.memory_space<vmem>>)
    %dma_wait3A_89 = arith.constant 128 : i32
    %dma_wait3A_90 = arith.constant 0 : i32
    %dma_wait3A_91 = tpu.memref_slice %arg13[%dma_wait3A_89, %dma_wait3A_90] : memref<256x128xf32, #tpu.memory_space<vmem>> -> memref<32x128xf32, #tpu.memory_space<vmem>>
    %dma_wait3A_92 = arith.constant 0 : i32
    %dma_wait3A_93 = arith.constant 0 : i32
    %dma_wait3A_94 = tpu.memref_slice %arg2[%dma_wait3A_92, %dma_wait3A_93] : memref<1024x128xf32, #tpu.memory_space<hbm>> -> memref<1024x128xf32, #tpu.memory_space<hbm>>
    tpu.wait_indirect_dma semaphore(%arg18 : memref<!tpu.dma_semaphore, #tpu.memory_space<semaphore_mem>>) src(%dma_wait3A_94 : memref<1024x128xf32, #tpu.memory_space<hbm>>) dst(%dma_wait3A_91 : memref<32x128xf32, #tpu.memory_space<vmem>>)
    %dma_wait3A_95 = arith.constant 160 : i32
    %dma_wait3A_96 = arith.constant 0 : i32
    %dma_wait3A_97 = tpu.memref_slice %arg13[%dma_wait3A_95, %dma_wait3A_96] : memref<256x128xf32, #tpu.memory_space<vmem>> -> memref<32x128xf32, #tpu.memory_space<vmem>>
    %dma_wait3A_98 = arith.constant 0 : i32
    %dma_wait3A_99 = arith.constant 0 : i32
    %dma_wait3A_100 = tpu.memref_slice %arg2[%dma_wait3A_98, %dma_wait3A_99] : memref<1024x128xf32, #tpu.memory_space<hbm>> -> memref<1024x128xf32, #tpu.memory_space<hbm>>
    tpu.wait_indirect_dma semaphore(%arg19 : memref<!tpu.dma_semaphore, #tpu.memory_space<semaphore_mem>>) src(%dma_wait3A_100 : memref<1024x128xf32, #tpu.memory_space<hbm>>) dst(%dma_wait3A_97 : memref<32x128xf32, #tpu.memory_space<vmem>>)
    %dma_wait3A_101 = arith.constant 192 : i32
    %dma_wait3A_102 = arith.constant 0 : i32
    %dma_wait3A_103 = tpu.memref_slice %arg13[%dma_wait3A_101, %dma_wait3A_102] : memref<256x128xf32, #tpu.memory_space<vmem>> -> memref<32x128xf32, #tpu.memory_space<vmem>>
    %dma_wait3A_104 = arith.constant 0 : i32
    %dma_wait3A_105 = arith.constant 0 : i32
    %dma_wait3A_106 = tpu.memref_slice %arg2[%dma_wait3A_104, %dma_wait3A_105] : memref<1024x128xf32, #tpu.memory_space<hbm>> -> memref<1024x128xf32, #tpu.memory_space<hbm>>
    tpu.wait_indirect_dma semaphore(%arg20 : memref<!tpu.dma_semaphore, #tpu.memory_space<semaphore_mem>>) src(%dma_wait3A_106 : memref<1024x128xf32, #tpu.memory_space<hbm>>) dst(%dma_wait3A_103 : memref<32x128xf32, #tpu.memory_space<vmem>>)
    %dma_wait3A_107 = arith.constant 224 : i32
    %dma_wait3A_108 = arith.constant 0 : i32
    %dma_wait3A_109 = tpu.memref_slice %arg13[%dma_wait3A_107, %dma_wait3A_108] : memref<256x128xf32, #tpu.memory_space<vmem>> -> memref<32x128xf32, #tpu.memory_space<vmem>>
    %dma_wait3A_110 = arith.constant 0 : i32
    %dma_wait3A_111 = arith.constant 0 : i32
    %dma_wait3A_112 = tpu.memref_slice %arg2[%dma_wait3A_110, %dma_wait3A_111] : memref<1024x128xf32, #tpu.memory_space<hbm>> -> memref<1024x128xf32, #tpu.memory_space<hbm>>
    tpu.wait_indirect_dma semaphore(%arg21 : memref<!tpu.dma_semaphore, #tpu.memory_space<semaphore_mem>>) src(%dma_wait3A_112 : memref<1024x128xf32, #tpu.memory_space<hbm>>) dst(%dma_wait3A_109 : memref<32x128xf32, #tpu.memory_space<vmem>>)
    "tpu.region"() ({
      %run_scoped3A = tpu.sem_alloc : memref<!tpu.dma_semaphore, #tpu.memory_space<semaphore_mem>>
      %dma_start3A_113 = arith.constant 0 : i32
      %dma_start3A_114 = tpu.memref_slice %arg4[%mul3A_2, %dma_start3A_113] : memref<8192x128xf32, #tpu.memory_space<hbm>> -> memref<256x128xf32, #tpu.memory_space<hbm>>
      %dma_start3A_115 = arith.constant 0 : i32
      %dma_start3A_116 = tpu.memref_slice %arg4[%mul3A_2, %dma_start3A_115] : memref<8192x128xf32, #tpu.memory_space<hbm>> -> memref<256x128xf32, #tpu.memory_space<hbm>>
      tpu.enqueue_dma source(%arg13 : memref<256x128xf32, #tpu.memory_space<vmem>>) target(%dma_start3A_116 : memref<256x128xf32, #tpu.memory_space<hbm>>) target_semaphore(%run_scoped3A : memref<!tpu.dma_semaphore, #tpu.memory_space<semaphore_mem>>)
      %dma_wait3A_117 = arith.constant 0 : i32
      %dma_wait3A_118 = tpu.memref_slice %arg4[%mul3A_2, %dma_wait3A_117] : memref<8192x128xf32, #tpu.memory_space<hbm>> -> memref<256x128xf32, #tpu.memory_space<hbm>>
      %dma_wait3A_119 = arith.constant 0 : i32
      %dma_wait3A_120 = tpu.memref_slice %arg4[%mul3A_2, %dma_wait3A_119] : memref<8192x128xf32, #tpu.memory_space<hbm>> -> memref<256x128xf32, #tpu.memory_space<hbm>>
      tpu.wait_dma2 semaphore(%run_scoped3A : memref<!tpu.dma_semaphore, #tpu.memory_space<semaphore_mem>>) src(%arg13 : memref<256x128xf32, #tpu.memory_space<vmem>>) dst(%dma_wait3A_120 : memref<256x128xf32, #tpu.memory_space<hbm>>)
      tpu.yield
    }) : () -> ()
    return
  }
}

module attributes {stable_mosaic.version = 14 : i64} {
  func.func @_k12_body(%arg0: i32, %arg1: i32, %arg2: memref<1x3x64x512xf32, #tpu.memory_space<vmem>>, %arg3: memref<256x192xf32, #tpu.memory_space<vmem>>, %arg4: memref<256x1xf32, #tpu.memory_space<vmem>>, %arg5: memref<128x1024xf32, #tpu.memory_space<vmem>>, %arg6: memref<128x1xf32, #tpu.memory_space<vmem>>, %arg7: memref<128x128xf32, #tpu.memory_space<vmem>>, %arg8: memref<128x128xf32, #tpu.memory_space<vmem>>) attributes {dimension_semantics = [#tpu.dimension_semantics<arbitrary>, #tpu.dimension_semantics<arbitrary>], iteration_bounds = array<i64: 8, 8>, scalar_prefetch = 0 : i64, scratch_operands = 0 : i64, tpu.core_type = #tpu.core_type<tc>, window_params = [{transform_indices = @transform_0, window_bounds = array<i64: 1, 3, 64, 512>}, {pipeline_mode = #tpu.pipeline_mode<synchronous>, transform_indices = @transform_1, window_bounds = array<i64: 256, 192>}, {pipeline_mode = #tpu.pipeline_mode<synchronous>, transform_indices = @transform_2, window_bounds = array<i64: 256, 1>}, {pipeline_mode = #tpu.pipeline_mode<synchronous>, transform_indices = @transform_3, window_bounds = array<i64: 128, 1024>}, {pipeline_mode = #tpu.pipeline_mode<synchronous>, transform_indices = @transform_4, window_bounds = array<i64: 128, 1>}, {pipeline_mode = #tpu.pipeline_mode<synchronous>, transform_indices = @transform_5, window_bounds = array<i64: 128, 128>}, {transform_indices = @transform_6, window_bounds = array<i64: 128, 128>}]} {
    %get3A = arith.constant 0 : index
    %get3A_0 = arith.constant 0 : index
    %get3A_1 = arith.constant 0 : index
    %get3A_2 = arith.constant 0 : index
    %get3A_3 = vector.load %arg2[%get3A, %get3A_0, %get3A_1, %get3A_2] : memref<1x3x64x512xf32, #tpu.memory_space<vmem>>, vector<1x3x64x512xf32>
    %get3A_4 = vector.shape_cast %get3A_3 : vector<1x3x64x512xf32> to vector<3x64x512xf32>
    %reshape3A = vector.shape_cast %get3A_4 : vector<3x64x512xf32> to vector<192x512xf32>
    %get3A_5 = arith.constant 0 : index
    %get3A_6 = arith.constant 0 : index
    %get3A_7 = vector.load %arg7[%get3A_5, %get3A_6] : memref<128x128xf32, #tpu.memory_space<vmem>>, vector<128x128xf32>
    %slice3A = vector.extract_strided_slice %reshape3A {offsets = [0, 0], sizes = [192, 128], strides = [1, 1]} : vector<192x512xf32> to vector<192x128xf32>
    %dot_general3A = arith.constant dense<0.000000e+00> : vector<192x128xf32>
    %dot_general3A_8 = tpu.matmul %slice3A, %get3A_7, %dot_general3A {dimension_numbers = #tpu.dot_dimension_numbers<[1], [0], [0], [1], [0, 0, 1, 1], [], []>, transpose_lhs_hint = false} : vector<192x128xf32>, vector<128x128xf32>, vector<192x128xf32> -> vector<192x128xf32>
    %slice3A_9 = vector.extract_strided_slice %reshape3A {offsets = [0, 128], sizes = [192, 128], strides = [1, 1]} : vector<192x512xf32> to vector<192x128xf32>
    %dot_general3A_10 = arith.constant dense<0.000000e+00> : vector<192x128xf32>
    %dot_general3A_11 = tpu.matmul %slice3A_9, %get3A_7, %dot_general3A_10 {dimension_numbers = #tpu.dot_dimension_numbers<[1], [0], [0], [1], [0, 0, 1, 1], [], []>, transpose_lhs_hint = false} : vector<192x128xf32>, vector<128x128xf32>, vector<192x128xf32> -> vector<192x128xf32>
    %slice3A_12 = vector.extract_strided_slice %reshape3A {offsets = [0, 256], sizes = [192, 128], strides = [1, 1]} : vector<192x512xf32> to vector<192x128xf32>
    %dot_general3A_13 = arith.constant dense<0.000000e+00> : vector<192x128xf32>
    %dot_general3A_14 = tpu.matmul %slice3A_12, %get3A_7, %dot_general3A_13 {dimension_numbers = #tpu.dot_dimension_numbers<[1], [0], [0], [1], [0, 0, 1, 1], [], []>, transpose_lhs_hint = false} : vector<192x128xf32>, vector<128x128xf32>, vector<192x128xf32> -> vector<192x128xf32>
    %slice3A_15 = vector.extract_strided_slice %reshape3A {offsets = [0, 384], sizes = [192, 128], strides = [1, 1]} : vector<192x512xf32> to vector<192x128xf32>
    %dot_general3A_16 = arith.constant dense<0.000000e+00> : vector<192x128xf32>
    %dot_general3A_17 = tpu.matmul %slice3A_15, %get3A_7, %dot_general3A_16 {dimension_numbers = #tpu.dot_dimension_numbers<[1], [0], [0], [1], [0, 0, 1, 1], [], []>, transpose_lhs_hint = false} : vector<192x128xf32>, vector<128x128xf32>, vector<192x128xf32> -> vector<192x128xf32>
    %slice3A_18 = vector.extract_strided_slice %dot_general3A_8 {offsets = [0, 0], sizes = [192, 32], strides = [1, 1]} : vector<192x128xf32> to vector<192x32xf32>
    %slice3A_19 = vector.extract_strided_slice %dot_general3A_11 {offsets = [0, 0], sizes = [192, 32], strides = [1, 1]} : vector<192x128xf32> to vector<192x32xf32>
    %slice3A_20 = vector.extract_strided_slice %dot_general3A_14 {offsets = [0, 0], sizes = [192, 32], strides = [1, 1]} : vector<192x128xf32> to vector<192x32xf32>
    %slice3A_21 = vector.extract_strided_slice %dot_general3A_17 {offsets = [0, 0], sizes = [192, 32], strides = [1, 1]} : vector<192x128xf32> to vector<192x32xf32>
    %concatenate3A = tpu.concatenate %slice3A_18, %slice3A_19, %slice3A_20, %slice3A_21 in 1 : vector<192x32xf32>, vector<192x32xf32>, vector<192x32xf32>, vector<192x32xf32> -> vector<192x128xf32>
    %slice3A_22 = vector.extract_strided_slice %dot_general3A_8 {offsets = [0, 32], sizes = [192, 32], strides = [1, 1]} : vector<192x128xf32> to vector<192x32xf32>
    %slice3A_23 = vector.extract_strided_slice %dot_general3A_11 {offsets = [0, 32], sizes = [192, 32], strides = [1, 1]} : vector<192x128xf32> to vector<192x32xf32>
    %slice3A_24 = vector.extract_strided_slice %dot_general3A_14 {offsets = [0, 32], sizes = [192, 32], strides = [1, 1]} : vector<192x128xf32> to vector<192x32xf32>
    %slice3A_25 = vector.extract_strided_slice %dot_general3A_17 {offsets = [0, 32], sizes = [192, 32], strides = [1, 1]} : vector<192x128xf32> to vector<192x32xf32>
    %concatenate3A_26 = tpu.concatenate %slice3A_22, %slice3A_23, %slice3A_24, %slice3A_25 in 1 : vector<192x32xf32>, vector<192x32xf32>, vector<192x32xf32>, vector<192x32xf32> -> vector<192x128xf32>
    %slice3A_27 = vector.extract_strided_slice %dot_general3A_8 {offsets = [0, 64], sizes = [192, 32], strides = [1, 1]} : vector<192x128xf32> to vector<192x32xf32>
    %slice3A_28 = vector.extract_strided_slice %dot_general3A_11 {offsets = [0, 64], sizes = [192, 32], strides = [1, 1]} : vector<192x128xf32> to vector<192x32xf32>
    %slice3A_29 = vector.extract_strided_slice %dot_general3A_14 {offsets = [0, 64], sizes = [192, 32], strides = [1, 1]} : vector<192x128xf32> to vector<192x32xf32>
    %slice3A_30 = vector.extract_strided_slice %dot_general3A_17 {offsets = [0, 64], sizes = [192, 32], strides = [1, 1]} : vector<192x128xf32> to vector<192x32xf32>
    %concatenate3A_31 = tpu.concatenate %slice3A_27, %slice3A_28, %slice3A_29, %slice3A_30 in 1 : vector<192x32xf32>, vector<192x32xf32>, vector<192x32xf32>, vector<192x32xf32> -> vector<192x128xf32>
    %slice3A_32 = vector.extract_strided_slice %dot_general3A_8 {offsets = [0, 96], sizes = [192, 32], strides = [1, 1]} : vector<192x128xf32> to vector<192x32xf32>
    %slice3A_33 = vector.extract_strided_slice %dot_general3A_11 {offsets = [0, 96], sizes = [192, 32], strides = [1, 1]} : vector<192x128xf32> to vector<192x32xf32>
    %slice3A_34 = vector.extract_strided_slice %dot_general3A_14 {offsets = [0, 96], sizes = [192, 32], strides = [1, 1]} : vector<192x128xf32> to vector<192x32xf32>
    %slice3A_35 = vector.extract_strided_slice %dot_general3A_17 {offsets = [0, 96], sizes = [192, 32], strides = [1, 1]} : vector<192x128xf32> to vector<192x32xf32>
    %concatenate3A_36 = tpu.concatenate %slice3A_32, %slice3A_33, %slice3A_34, %slice3A_35 in 1 : vector<192x32xf32>, vector<192x32xf32>, vector<192x32xf32>, vector<192x32xf32> -> vector<192x128xf32>
    %slice3A_37 = vector.extract_strided_slice %concatenate3A {offsets = [0, 0], sizes = [16, 128], strides = [1, 1]} : vector<192x128xf32> to vector<16x128xf32>
    %slice3A_38 = vector.extract_strided_slice %concatenate3A {offsets = [64, 0], sizes = [16, 128], strides = [1, 1]} : vector<192x128xf32> to vector<16x128xf32>
    %slice3A_39 = vector.extract_strided_slice %concatenate3A {offsets = [128, 0], sizes = [16, 128], strides = [1, 1]} : vector<192x128xf32> to vector<16x128xf32>
    %concatenate3A_40 = tpu.concatenate %slice3A_37, %slice3A_38, %slice3A_39 in 0 : vector<16x128xf32>, vector<16x128xf32>, vector<16x128xf32> -> vector<48x128xf32>
    %slice3A_41 = vector.extract_strided_slice %concatenate3A_26 {offsets = [0, 0], sizes = [16, 128], strides = [1, 1]} : vector<192x128xf32> to vector<16x128xf32>
    %slice3A_42 = vector.extract_strided_slice %concatenate3A_26 {offsets = [64, 0], sizes = [16, 128], strides = [1, 1]} : vector<192x128xf32> to vector<16x128xf32>
    %slice3A_43 = vector.extract_strided_slice %concatenate3A_26 {offsets = [128, 0], sizes = [16, 128], strides = [1, 1]} : vector<192x128xf32> to vector<16x128xf32>
    %concatenate3A_44 = tpu.concatenate %slice3A_41, %slice3A_42, %slice3A_43 in 0 : vector<16x128xf32>, vector<16x128xf32>, vector<16x128xf32> -> vector<48x128xf32>
    %slice3A_45 = vector.extract_strided_slice %concatenate3A_31 {offsets = [0, 0], sizes = [16, 128], strides = [1, 1]} : vector<192x128xf32> to vector<16x128xf32>
    %slice3A_46 = vector.extract_strided_slice %concatenate3A_31 {offsets = [64, 0], sizes = [16, 128], strides = [1, 1]} : vector<192x128xf32> to vector<16x128xf32>
    %slice3A_47 = vector.extract_strided_slice %concatenate3A_31 {offsets = [128, 0], sizes = [16, 128], strides = [1, 1]} : vector<192x128xf32> to vector<16x128xf32>
    %concatenate3A_48 = tpu.concatenate %slice3A_45, %slice3A_46, %slice3A_47 in 0 : vector<16x128xf32>, vector<16x128xf32>, vector<16x128xf32> -> vector<48x128xf32>
    %slice3A_49 = vector.extract_strided_slice %concatenate3A_36 {offsets = [0, 0], sizes = [16, 128], strides = [1, 1]} : vector<192x128xf32> to vector<16x128xf32>
    %slice3A_50 = vector.extract_strided_slice %concatenate3A_36 {offsets = [64, 0], sizes = [16, 128], strides = [1, 1]} : vector<192x128xf32> to vector<16x128xf32>
    %slice3A_51 = vector.extract_strided_slice %concatenate3A_36 {offsets = [128, 0], sizes = [16, 128], strides = [1, 1]} : vector<192x128xf32> to vector<16x128xf32>
    %concatenate3A_52 = tpu.concatenate %slice3A_49, %slice3A_50, %slice3A_51 in 0 : vector<16x128xf32>, vector<16x128xf32>, vector<16x128xf32> -> vector<48x128xf32>
    %concatenate3A_53 = tpu.concatenate %concatenate3A_40, %concatenate3A_44, %concatenate3A_48, %concatenate3A_52 in 0 : vector<48x128xf32>, vector<48x128xf32>, vector<48x128xf32>, vector<48x128xf32> -> vector<192x128xf32>
    %get3A_54 = arith.constant 0 : index
    %get3A_55 = arith.constant 0 : index
    %get3A_56 = vector.load %arg3[%get3A_54, %get3A_55] : memref<256x192xf32, #tpu.memory_space<vmem>>, vector<256x192xf32>
    %dot_general3A_57 = arith.constant dense<0.000000e+00> : vector<256x128xf32>
    %dot_general3A_58 = tpu.matmul %get3A_56, %concatenate3A_53, %dot_general3A_57 {dimension_numbers = #tpu.dot_dimension_numbers<[1], [0], [0], [1], [0, 0, 1, 1], [], []>, transpose_lhs_hint = false} : vector<256x192xf32>, vector<192x128xf32>, vector<256x128xf32> -> vector<256x128xf32>
    %get3A_59 = arith.constant 0 : index
    %get3A_60 = arith.constant 0 : index
    %get3A_61 = vector.load %arg4[%get3A_59, %get3A_60] : memref<256x1xf32, #tpu.memory_space<vmem>>, vector<256x1xf32>
    %add3A = vector.broadcast %get3A_61 : vector<256x1xf32> to vector<256x128xf32>
    %add3A_62 = arith.addf %dot_general3A_58, %add3A : vector<256x128xf32>
    %max3A = arith.constant 0.000000e+00 : f32
    %max3A_63 = vector.broadcast %max3A : f32 to vector<256x128xf32>
    %max3A_64 = arith.maximumf %add3A_62, %max3A_63 : vector<256x128xf32>
    %dot_general3A_65 = arith.constant dense<0.000000e+00> : vector<256x128xf32>
    %dot_general3A_66 = tpu.matmul %max3A_64, %get3A_7, %dot_general3A_65 {dimension_numbers = #tpu.dot_dimension_numbers<[1], [0], [0], [1], [0, 0, 1, 1], [], []>, transpose_lhs_hint = false} : vector<256x128xf32>, vector<128x128xf32>, vector<256x128xf32> -> vector<256x128xf32>
    %slice3A_67 = vector.extract_strided_slice %dot_general3A_66 {offsets = [0, 0], sizes = [256, 32], strides = [1, 1]} : vector<256x128xf32> to vector<256x32xf32>
    %slice3A_68 = vector.extract_strided_slice %dot_general3A_66 {offsets = [0, 32], sizes = [256, 32], strides = [1, 1]} : vector<256x128xf32> to vector<256x32xf32>
    %slice3A_69 = vector.extract_strided_slice %dot_general3A_66 {offsets = [0, 64], sizes = [256, 32], strides = [1, 1]} : vector<256x128xf32> to vector<256x32xf32>
    %slice3A_70 = vector.extract_strided_slice %dot_general3A_66 {offsets = [0, 96], sizes = [256, 32], strides = [1, 1]} : vector<256x128xf32> to vector<256x32xf32>
    %concatenate3A_71 = tpu.concatenate %slice3A_67, %slice3A_68, %slice3A_69, %slice3A_70 in 0 : vector<256x32xf32>, vector<256x32xf32>, vector<256x32xf32>, vector<256x32xf32> -> vector<1024x32xf32>
    %get3A_72 = arith.constant 0 : index
    %get3A_73 = arith.constant 0 : index
    %get3A_74 = vector.load %arg5[%get3A_72, %get3A_73] : memref<128x1024xf32, #tpu.memory_space<vmem>>, vector<128x1024xf32>
    %dot_general3A_75 = arith.constant dense<0.000000e+00> : vector<128x32xf32>
    %dot_general3A_76 = tpu.matmul %get3A_74, %concatenate3A_71, %dot_general3A_75 {dimension_numbers = #tpu.dot_dimension_numbers<[1], [0], [0], [1], [0, 0, 1, 1], [], []>, transpose_lhs_hint = false} : vector<128x1024xf32>, vector<1024x32xf32>, vector<128x32xf32> -> vector<128x32xf32>
    %get3A_77 = arith.constant 0 : index
    %get3A_78 = arith.constant 0 : index
    %get3A_79 = vector.load %arg6[%get3A_77, %get3A_78] : memref<128x1xf32, #tpu.memory_space<vmem>>, vector<128x1xf32>
    %add3A_80 = vector.broadcast %get3A_79 : vector<128x1xf32> to vector<128x32xf32>
    %add3A_81 = arith.addf %dot_general3A_76, %add3A_80 : vector<128x32xf32>
    %transpose3A = tpu.transpose %add3A_81, [1, 0] : vector<128x32xf32> -> vector<32x128xf32>
    %swap3A = arith.constant 0 : index
    %swap3A_82 = arith.constant 0 : index
    %swap3A_83 = vector.load %arg8[%swap3A, %swap3A_82] : memref<128x128xf32, #tpu.memory_space<vmem>>, vector<32x128xf32>
    tpu.vector_store %arg8[%swap3A, %swap3A_82], %transpose3A {strides = array<i32>} : memref<128x128xf32, #tpu.memory_space<vmem>>, vector<32x128xf32>,
    %slice3A_84 = vector.extract_strided_slice %concatenate3A {offsets = [16, 0], sizes = [16, 128], strides = [1, 1]} : vector<192x128xf32> to vector<16x128xf32>
    %slice3A_85 = vector.extract_strided_slice %concatenate3A {offsets = [80, 0], sizes = [16, 128], strides = [1, 1]} : vector<192x128xf32> to vector<16x128xf32>
    %slice3A_86 = vector.extract_strided_slice %concatenate3A {offsets = [144, 0], sizes = [16, 128], strides = [1, 1]} : vector<192x128xf32> to vector<16x128xf32>
    %concatenate3A_87 = tpu.concatenate %slice3A_84, %slice3A_85, %slice3A_86 in 0 : vector<16x128xf32>, vector<16x128xf32>, vector<16x128xf32> -> vector<48x128xf32>
    %slice3A_88 = vector.extract_strided_slice %concatenate3A_26 {offsets = [16, 0], sizes = [16, 128], strides = [1, 1]} : vector<192x128xf32> to vector<16x128xf32>
    %slice3A_89 = vector.extract_strided_slice %concatenate3A_26 {offsets = [80, 0], sizes = [16, 128], strides = [1, 1]} : vector<192x128xf32> to vector<16x128xf32>
    %slice3A_90 = vector.extract_strided_slice %concatenate3A_26 {offsets = [144, 0], sizes = [16, 128], strides = [1, 1]} : vector<192x128xf32> to vector<16x128xf32>
    %concatenate3A_91 = tpu.concatenate %slice3A_88, %slice3A_89, %slice3A_90 in 0 : vector<16x128xf32>, vector<16x128xf32>, vector<16x128xf32> -> vector<48x128xf32>
    %slice3A_92 = vector.extract_strided_slice %concatenate3A_31 {offsets = [16, 0], sizes = [16, 128], strides = [1, 1]} : vector<192x128xf32> to vector<16x128xf32>
    %slice3A_93 = vector.extract_strided_slice %concatenate3A_31 {offsets = [80, 0], sizes = [16, 128], strides = [1, 1]} : vector<192x128xf32> to vector<16x128xf32>
    %slice3A_94 = vector.extract_strided_slice %concatenate3A_31 {offsets = [144, 0], sizes = [16, 128], strides = [1, 1]} : vector<192x128xf32> to vector<16x128xf32>
    %concatenate3A_95 = tpu.concatenate %slice3A_92, %slice3A_93, %slice3A_94 in 0 : vector<16x128xf32>, vector<16x128xf32>, vector<16x128xf32> -> vector<48x128xf32>
    %slice3A_96 = vector.extract_strided_slice %concatenate3A_36 {offsets = [16, 0], sizes = [16, 128], strides = [1, 1]} : vector<192x128xf32> to vector<16x128xf32>
    %slice3A_97 = vector.extract_strided_slice %concatenate3A_36 {offsets = [80, 0], sizes = [16, 128], strides = [1, 1]} : vector<192x128xf32> to vector<16x128xf32>
    %slice3A_98 = vector.extract_strided_slice %concatenate3A_36 {offsets = [144, 0], sizes = [16, 128], strides = [1, 1]} : vector<192x128xf32> to vector<16x128xf32>
    %concatenate3A_99 = tpu.concatenate %slice3A_96, %slice3A_97, %slice3A_98 in 0 : vector<16x128xf32>, vector<16x128xf32>, vector<16x128xf32> -> vector<48x128xf32>
    %concatenate3A_100 = tpu.concatenate %concatenate3A_87, %concatenate3A_91, %concatenate3A_95, %concatenate3A_99 in 0 : vector<48x128xf32>, vector<48x128xf32>, vector<48x128xf32>, vector<48x128xf32> -> vector<192x128xf32>
    %get3A_101 = arith.constant 0 : index
    %get3A_102 = arith.constant 0 : index
    %get3A_103 = vector.load %arg3[%get3A_101, %get3A_102] : memref<256x192xf32, #tpu.memory_space<vmem>>, vector<256x192xf32>
    %dot_general3A_104 = arith.constant dense<0.000000e+00> : vector<256x128xf32>
    %dot_general3A_105 = tpu.matmul %get3A_103, %concatenate3A_100, %dot_general3A_104 {dimension_numbers = #tpu.dot_dimension_numbers<[1], [0], [0], [1], [0, 0, 1, 1], [], []>, transpose_lhs_hint = false} : vector<256x192xf32>, vector<192x128xf32>, vector<256x128xf32> -> vector<256x128xf32>
    %get3A_106 = arith.constant 0 : index
    %get3A_107 = arith.constant 0 : index
    %get3A_108 = vector.load %arg4[%get3A_106, %get3A_107] : memref<256x1xf32, #tpu.memory_space<vmem>>, vector<256x1xf32>
    %add3A_109 = vector.broadcast %get3A_108 : vector<256x1xf32> to vector<256x128xf32>
    %add3A_110 = arith.addf %dot_general3A_105, %add3A_109 : vector<256x128xf32>
    %max3A_111 = arith.constant 0.000000e+00 : f32
    %max3A_112 = vector.broadcast %max3A_111 : f32 to vector<256x128xf32>
    %max3A_113 = arith.maximumf %add3A_110, %max3A_112 : vector<256x128xf32>
    %dot_general3A_114 = arith.constant dense<0.000000e+00> : vector<256x128xf32>
    %dot_general3A_115 = tpu.matmul %max3A_113, %get3A_7, %dot_general3A_114 {dimension_numbers = #tpu.dot_dimension_numbers<[1], [0], [0], [1], [0, 0, 1, 1], [], []>, transpose_lhs_hint = false} : vector<256x128xf32>, vector<128x128xf32>, vector<256x128xf32> -> vector<256x128xf32>
    %slice3A_116 = vector.extract_strided_slice %dot_general3A_115 {offsets = [0, 0], sizes = [256, 32], strides = [1, 1]} : vector<256x128xf32> to vector<256x32xf32>
    %slice3A_117 = vector.extract_strided_slice %dot_general3A_115 {offsets = [0, 32], sizes = [256, 32], strides = [1, 1]} : vector<256x128xf32> to vector<256x32xf32>
    %slice3A_118 = vector.extract_strided_slice %dot_general3A_115 {offsets = [0, 64], sizes = [256, 32], strides = [1, 1]} : vector<256x128xf32> to vector<256x32xf32>
    %slice3A_119 = vector.extract_strided_slice %dot_general3A_115 {offsets = [0, 96], sizes = [256, 32], strides = [1, 1]} : vector<256x128xf32> to vector<256x32xf32>
    %concatenate3A_120 = tpu.concatenate %slice3A_116, %slice3A_117, %slice3A_118, %slice3A_119 in 0 : vector<256x32xf32>, vector<256x32xf32>, vector<256x32xf32>, vector<256x32xf32> -> vector<1024x32xf32>
    %get3A_121 = arith.constant 0 : index
    %get3A_122 = arith.constant 0 : index
    %get3A_123 = vector.load %arg5[%get3A_121, %get3A_122] : memref<128x1024xf32, #tpu.memory_space<vmem>>, vector<128x1024xf32>
    %dot_general3A_124 = arith.constant dense<0.000000e+00> : vector<128x32xf32>
    %dot_general3A_125 = tpu.matmul %get3A_123, %concatenate3A_120, %dot_general3A_124 {dimension_numbers = #tpu.dot_dimension_numbers<[1], [0], [0], [1], [0, 0, 1, 1], [], []>, transpose_lhs_hint = false} : vector<128x1024xf32>, vector<1024x32xf32>, vector<128x32xf32> -> vector<128x32xf32>
    %get3A_126 = arith.constant 0 : index
    %get3A_127 = arith.constant 0 : index
    %get3A_128 = vector.load %arg6[%get3A_126, %get3A_127] : memref<128x1xf32, #tpu.memory_space<vmem>>, vector<128x1xf32>
    %add3A_129 = vector.broadcast %get3A_128 : vector<128x1xf32> to vector<128x32xf32>
    %add3A_130 = arith.addf %dot_general3A_125, %add3A_129 : vector<128x32xf32>
    %transpose3A_131 = tpu.transpose %add3A_130, [1, 0] : vector<128x32xf32> -> vector<32x128xf32>
    %swap3A_132 = arith.constant 32 : index
    %swap3A_133 = arith.constant 0 : index
    %swap3A_134 = vector.load %arg8[%swap3A_132, %swap3A_133] : memref<128x128xf32, #tpu.memory_space<vmem>>, vector<32x128xf32>
    tpu.vector_store %arg8[%swap3A_132, %swap3A_133], %transpose3A_131 {strides = array<i32>} : memref<128x128xf32, #tpu.memory_space<vmem>>, vector<32x128xf32>,
    %slice3A_135 = vector.extract_strided_slice %concatenate3A {offsets = [32, 0], sizes = [16, 128], strides = [1, 1]} : vector<192x128xf32> to vector<16x128xf32>
    %slice3A_136 = vector.extract_strided_slice %concatenate3A {offsets = [96, 0], sizes = [16, 128], strides = [1, 1]} : vector<192x128xf32> to vector<16x128xf32>
    %slice3A_137 = vector.extract_strided_slice %concatenate3A {offsets = [160, 0], sizes = [16, 128], strides = [1, 1]} : vector<192x128xf32> to vector<16x128xf32>
    %concatenate3A_138 = tpu.concatenate %slice3A_135, %slice3A_136, %slice3A_137 in 0 : vector<16x128xf32>, vector<16x128xf32>, vector<16x128xf32> -> vector<48x128xf32>
    %slice3A_139 = vector.extract_strided_slice %concatenate3A_26 {offsets = [32, 0], sizes = [16, 128], strides = [1, 1]} : vector<192x128xf32> to vector<16x128xf32>
    %slice3A_140 = vector.extract_strided_slice %concatenate3A_26 {offsets = [96, 0], sizes = [16, 128], strides = [1, 1]} : vector<192x128xf32> to vector<16x128xf32>
    %slice3A_141 = vector.extract_strided_slice %concatenate3A_26 {offsets = [160, 0], sizes = [16, 128], strides = [1, 1]} : vector<192x128xf32> to vector<16x128xf32>
    %concatenate3A_142 = tpu.concatenate %slice3A_139, %slice3A_140, %slice3A_141 in 0 : vector<16x128xf32>, vector<16x128xf32>, vector<16x128xf32> -> vector<48x128xf32>
    %slice3A_143 = vector.extract_strided_slice %concatenate3A_31 {offsets = [32, 0], sizes = [16, 128], strides = [1, 1]} : vector<192x128xf32> to vector<16x128xf32>
    %slice3A_144 = vector.extract_strided_slice %concatenate3A_31 {offsets = [96, 0], sizes = [16, 128], strides = [1, 1]} : vector<192x128xf32> to vector<16x128xf32>
    %slice3A_145 = vector.extract_strided_slice %concatenate3A_31 {offsets = [160, 0], sizes = [16, 128], strides = [1, 1]} : vector<192x128xf32> to vector<16x128xf32>
    %concatenate3A_146 = tpu.concatenate %slice3A_143, %slice3A_144, %slice3A_145 in 0 : vector<16x128xf32>, vector<16x128xf32>, vector<16x128xf32> -> vector<48x128xf32>
    %slice3A_147 = vector.extract_strided_slice %concatenate3A_36 {offsets = [32, 0], sizes = [16, 128], strides = [1, 1]} : vector<192x128xf32> to vector<16x128xf32>
    %slice3A_148 = vector.extract_strided_slice %concatenate3A_36 {offsets = [96, 0], sizes = [16, 128], strides = [1, 1]} : vector<192x128xf32> to vector<16x128xf32>
    %slice3A_149 = vector.extract_strided_slice %concatenate3A_36 {offsets = [160, 0], sizes = [16, 128], strides = [1, 1]} : vector<192x128xf32> to vector<16x128xf32>
    %concatenate3A_150 = tpu.concatenate %slice3A_147, %slice3A_148, %slice3A_149 in 0 : vector<16x128xf32>, vector<16x128xf32>, vector<16x128xf32> -> vector<48x128xf32>
    %concatenate3A_151 = tpu.concatenate %concatenate3A_138, %concatenate3A_142, %concatenate3A_146, %concatenate3A_150 in 0 : vector<48x128xf32>, vector<48x128xf32>, vector<48x128xf32>, vector<48x128xf32> -> vector<192x128xf32>
    %get3A_152 = arith.constant 0 : index
    %get3A_153 = arith.constant 0 : index
    %get3A_154 = vector.load %arg3[%get3A_152, %get3A_153] : memref<256x192xf32, #tpu.memory_space<vmem>>, vector<256x192xf32>
    %dot_general3A_155 = arith.constant dense<0.000000e+00> : vector<256x128xf32>
    %dot_general3A_156 = tpu.matmul %get3A_154, %concatenate3A_151, %dot_general3A_155 {dimension_numbers = #tpu.dot_dimension_numbers<[1], [0], [0], [1], [0, 0, 1, 1], [], []>, transpose_lhs_hint = false} : vector<256x192xf32>, vector<192x128xf32>, vector<256x128xf32> -> vector<256x128xf32>
    %get3A_157 = arith.constant 0 : index
    %get3A_158 = arith.constant 0 : index
    %get3A_159 = vector.load %arg4[%get3A_157, %get3A_158] : memref<256x1xf32, #tpu.memory_space<vmem>>, vector<256x1xf32>
    %add3A_160 = vector.broadcast %get3A_159 : vector<256x1xf32> to vector<256x128xf32>
    %add3A_161 = arith.addf %dot_general3A_156, %add3A_160 : vector<256x128xf32>
    %max3A_162 = arith.constant 0.000000e+00 : f32
    %max3A_163 = vector.broadcast %max3A_162 : f32 to vector<256x128xf32>
    %max3A_164 = arith.maximumf %add3A_161, %max3A_163 : vector<256x128xf32>
    %dot_general3A_165 = arith.constant dense<0.000000e+00> : vector<256x128xf32>
    %dot_general3A_166 = tpu.matmul %max3A_164, %get3A_7, %dot_general3A_165 {dimension_numbers = #tpu.dot_dimension_numbers<[1], [0], [0], [1], [0, 0, 1, 1], [], []>, transpose_lhs_hint = false} : vector<256x128xf32>, vector<128x128xf32>, vector<256x128xf32> -> vector<256x128xf32>
    %slice3A_167 = vector.extract_strided_slice %dot_general3A_166 {offsets = [0, 0], sizes = [256, 32], strides = [1, 1]} : vector<256x128xf32> to vector<256x32xf32>
    %slice3A_168 = vector.extract_strided_slice %dot_general3A_166 {offsets = [0, 32], sizes = [256, 32], strides = [1, 1]} : vector<256x128xf32> to vector<256x32xf32>
    %slice3A_169 = vector.extract_strided_slice %dot_general3A_166 {offsets = [0, 64], sizes = [256, 32], strides = [1, 1]} : vector<256x128xf32> to vector<256x32xf32>
    %slice3A_170 = vector.extract_strided_slice %dot_general3A_166 {offsets = [0, 96], sizes = [256, 32], strides = [1, 1]} : vector<256x128xf32> to vector<256x32xf32>
    %concatenate3A_171 = tpu.concatenate %slice3A_167, %slice3A_168, %slice3A_169, %slice3A_170 in 0 : vector<256x32xf32>, vector<256x32xf32>, vector<256x32xf32>, vector<256x32xf32> -> vector<1024x32xf32>
    %get3A_172 = arith.constant 0 : index
    %get3A_173 = arith.constant 0 : index
    %get3A_174 = vector.load %arg5[%get3A_172, %get3A_173] : memref<128x1024xf32, #tpu.memory_space<vmem>>, vector<128x1024xf32>
    %dot_general3A_175 = arith.constant dense<0.000000e+00> : vector<128x32xf32>
    %dot_general3A_176 = tpu.matmul %get3A_174, %concatenate3A_171, %dot_general3A_175 {dimension_numbers = #tpu.dot_dimension_numbers<[1], [0], [0], [1], [0, 0, 1, 1], [], []>, transpose_lhs_hint = false} : vector<128x1024xf32>, vector<1024x32xf32>, vector<128x32xf32> -> vector<128x32xf32>
    %get3A_177 = arith.constant 0 : index
    %get3A_178 = arith.constant 0 : index
    %get3A_179 = vector.load %arg6[%get3A_177, %get3A_178] : memref<128x1xf32, #tpu.memory_space<vmem>>, vector<128x1xf32>
    %add3A_180 = vector.broadcast %get3A_179 : vector<128x1xf32> to vector<128x32xf32>
    %add3A_181 = arith.addf %dot_general3A_176, %add3A_180 : vector<128x32xf32>
    %transpose3A_182 = tpu.transpose %add3A_181, [1, 0] : vector<128x32xf32> -> vector<32x128xf32>
    %swap3A_183 = arith.constant 64 : index
    %swap3A_184 = arith.constant 0 : index
    %swap3A_185 = vector.load %arg8[%swap3A_183, %swap3A_184] : memref<128x128xf32, #tpu.memory_space<vmem>>, vector<32x128xf32>
    tpu.vector_store %arg8[%swap3A_183, %swap3A_184], %transpose3A_182 {strides = array<i32>} : memref<128x128xf32, #tpu.memory_space<vmem>>, vector<32x128xf32>,
    %slice3A_186 = vector.extract_strided_slice %concatenate3A {offsets = [48, 0], sizes = [16, 128], strides = [1, 1]} : vector<192x128xf32> to vector<16x128xf32>
    %slice3A_187 = vector.extract_strided_slice %concatenate3A {offsets = [112, 0], sizes = [16, 128], strides = [1, 1]} : vector<192x128xf32> to vector<16x128xf32>
    %slice3A_188 = vector.extract_strided_slice %concatenate3A {offsets = [176, 0], sizes = [16, 128], strides = [1, 1]} : vector<192x128xf32> to vector<16x128xf32>
    %concatenate3A_189 = tpu.concatenate %slice3A_186, %slice3A_187, %slice3A_188 in 0 : vector<16x128xf32>, vector<16x128xf32>, vector<16x128xf32> -> vector<48x128xf32>
    %slice3A_190 = vector.extract_strided_slice %concatenate3A_26 {offsets = [48, 0], sizes = [16, 128], strides = [1, 1]} : vector<192x128xf32> to vector<16x128xf32>
    %slice3A_191 = vector.extract_strided_slice %concatenate3A_26 {offsets = [112, 0], sizes = [16, 128], strides = [1, 1]} : vector<192x128xf32> to vector<16x128xf32>
    %slice3A_192 = vector.extract_strided_slice %concatenate3A_26 {offsets = [176, 0], sizes = [16, 128], strides = [1, 1]} : vector<192x128xf32> to vector<16x128xf32>
    %concatenate3A_193 = tpu.concatenate %slice3A_190, %slice3A_191, %slice3A_192 in 0 : vector<16x128xf32>, vector<16x128xf32>, vector<16x128xf32> -> vector<48x128xf32>
    %slice3A_194 = vector.extract_strided_slice %concatenate3A_31 {offsets = [48, 0], sizes = [16, 128], strides = [1, 1]} : vector<192x128xf32> to vector<16x128xf32>
    %slice3A_195 = vector.extract_strided_slice %concatenate3A_31 {offsets = [112, 0], sizes = [16, 128], strides = [1, 1]} : vector<192x128xf32> to vector<16x128xf32>
    %slice3A_196 = vector.extract_strided_slice %concatenate3A_31 {offsets = [176, 0], sizes = [16, 128], strides = [1, 1]} : vector<192x128xf32> to vector<16x128xf32>
    %concatenate3A_197 = tpu.concatenate %slice3A_194, %slice3A_195, %slice3A_196 in 0 : vector<16x128xf32>, vector<16x128xf32>, vector<16x128xf32> -> vector<48x128xf32>
    %slice3A_198 = vector.extract_strided_slice %concatenate3A_36 {offsets = [48, 0], sizes = [16, 128], strides = [1, 1]} : vector<192x128xf32> to vector<16x128xf32>
    %slice3A_199 = vector.extract_strided_slice %concatenate3A_36 {offsets = [112, 0], sizes = [16, 128], strides = [1, 1]} : vector<192x128xf32> to vector<16x128xf32>
    %slice3A_200 = vector.extract_strided_slice %concatenate3A_36 {offsets = [176, 0], sizes = [16, 128], strides = [1, 1]} : vector<192x128xf32> to vector<16x128xf32>
    %concatenate3A_201 = tpu.concatenate %slice3A_198, %slice3A_199, %slice3A_200 in 0 : vector<16x128xf32>, vector<16x128xf32>, vector<16x128xf32> -> vector<48x128xf32>
    %concatenate3A_202 = tpu.concatenate %concatenate3A_189, %concatenate3A_193, %concatenate3A_197, %concatenate3A_201 in 0 : vector<48x128xf32>, vector<48x128xf32>, vector<48x128xf32>, vector<48x128xf32> -> vector<192x128xf32>
    %get3A_203 = arith.constant 0 : index
    %get3A_204 = arith.constant 0 : index
    %get3A_205 = vector.load %arg3[%get3A_203, %get3A_204] : memref<256x192xf32, #tpu.memory_space<vmem>>, vector<256x192xf32>
    %dot_general3A_206 = arith.constant dense<0.000000e+00> : vector<256x128xf32>
    %dot_general3A_207 = tpu.matmul %get3A_205, %concatenate3A_202, %dot_general3A_206 {dimension_numbers = #tpu.dot_dimension_numbers<[1], [0], [0], [1], [0, 0, 1, 1], [], []>, transpose_lhs_hint = false} : vector<256x192xf32>, vector<192x128xf32>, vector<256x128xf32> -> vector<256x128xf32>
    %get3A_208 = arith.constant 0 : index
    %get3A_209 = arith.constant 0 : index
    %get3A_210 = vector.load %arg4[%get3A_208, %get3A_209] : memref<256x1xf32, #tpu.memory_space<vmem>>, vector<256x1xf32>
    %add3A_211 = vector.broadcast %get3A_210 : vector<256x1xf32> to vector<256x128xf32>
    %add3A_212 = arith.addf %dot_general3A_207, %add3A_211 : vector<256x128xf32>
    %max3A_213 = arith.constant 0.000000e+00 : f32
    %max3A_214 = vector.broadcast %max3A_213 : f32 to vector<256x128xf32>
    %max3A_215 = arith.maximumf %add3A_212, %max3A_214 : vector<256x128xf32>
    %dot_general3A_216 = arith.constant dense<0.000000e+00> : vector<256x128xf32>
    %dot_general3A_217 = tpu.matmul %max3A_215, %get3A_7, %dot_general3A_216 {dimension_numbers = #tpu.dot_dimension_numbers<[1], [0], [0], [1], [0, 0, 1, 1], [], []>, transpose_lhs_hint = false} : vector<256x128xf32>, vector<128x128xf32>, vector<256x128xf32> -> vector<256x128xf32>
    %slice3A_218 = vector.extract_strided_slice %dot_general3A_217 {offsets = [0, 0], sizes = [256, 32], strides = [1, 1]} : vector<256x128xf32> to vector<256x32xf32>
    %slice3A_219 = vector.extract_strided_slice %dot_general3A_217 {offsets = [0, 32], sizes = [256, 32], strides = [1, 1]} : vector<256x128xf32> to vector<256x32xf32>
    %slice3A_220 = vector.extract_strided_slice %dot_general3A_217 {offsets = [0, 64], sizes = [256, 32], strides = [1, 1]} : vector<256x128xf32> to vector<256x32xf32>
    %slice3A_221 = vector.extract_strided_slice %dot_general3A_217 {offsets = [0, 96], sizes = [256, 32], strides = [1, 1]} : vector<256x128xf32> to vector<256x32xf32>
    %concatenate3A_222 = tpu.concatenate %slice3A_218, %slice3A_219, %slice3A_220, %slice3A_221 in 0 : vector<256x32xf32>, vector<256x32xf32>, vector<256x32xf32>, vector<256x32xf32> -> vector<1024x32xf32>
    %get3A_223 = arith.constant 0 : index
    %get3A_224 = arith.constant 0 : index
    %get3A_225 = vector.load %arg5[%get3A_223, %get3A_224] : memref<128x1024xf32, #tpu.memory_space<vmem>>, vector<128x1024xf32>
    %dot_general3A_226 = arith.constant dense<0.000000e+00> : vector<128x32xf32>
    %dot_general3A_227 = tpu.matmul %get3A_225, %concatenate3A_222, %dot_general3A_226 {dimension_numbers = #tpu.dot_dimension_numbers<[1], [0], [0], [1], [0, 0, 1, 1], [], []>, transpose_lhs_hint = false} : vector<128x1024xf32>, vector<1024x32xf32>, vector<128x32xf32> -> vector<128x32xf32>
    %get3A_228 = arith.constant 0 : index
    %get3A_229 = arith.constant 0 : index
    %get3A_230 = vector.load %arg6[%get3A_228, %get3A_229] : memref<128x1xf32, #tpu.memory_space<vmem>>, vector<128x1xf32>
    %add3A_231 = vector.broadcast %get3A_230 : vector<128x1xf32> to vector<128x32xf32>
    %add3A_232 = arith.addf %dot_general3A_227, %add3A_231 : vector<128x32xf32>
    %transpose3A_233 = tpu.transpose %add3A_232, [1, 0] : vector<128x32xf32> -> vector<32x128xf32>
    %swap3A_234 = arith.constant 96 : index
    %swap3A_235 = arith.constant 0 : index
    %swap3A_236 = vector.load %arg8[%swap3A_234, %swap3A_235] : memref<128x128xf32, #tpu.memory_space<vmem>>, vector<32x128xf32>
    tpu.vector_store %arg8[%swap3A_234, %swap3A_235], %transpose3A_233 {strides = array<i32>} : memref<128x128xf32, #tpu.memory_space<vmem>>, vector<32x128xf32>,
    return
  }
  func.func @transform_0(%arg0: i32, %arg1: i32) -> (i32, i32, i32, i32) {
    %c0_i32 = arith.constant 0 : i32
    %c0_i32_0 = arith.constant 0 : i32
    %c0_i32_1 = arith.constant 0 : i32
    return %arg0, %c0_i32, %arg1, %c0_i32_0 : i32, i32, i32, i32
  }
  func.func @transform_1(%arg0: i32, %arg1: i32) -> (i32, i32) {
    %c0_i32 = arith.constant 0 : i32
    %c0_i32_0 = arith.constant 0 : i32
    %c0_i32_1 = arith.constant 0 : i32
    return %c0_i32, %c0_i32_0 : i32, i32
  }
  func.func @transform_2(%arg0: i32, %arg1: i32) -> (i32, i32) {
    %c0_i32 = arith.constant 0 : i32
    %c0_i32_0 = arith.constant 0 : i32
    %c0_i32_1 = arith.constant 0 : i32
    return %c0_i32, %c0_i32_0 : i32, i32
  }
  func.func @transform_3(%arg0: i32, %arg1: i32) -> (i32, i32) {
    %c0_i32 = arith.constant 0 : i32
    %c0_i32_0 = arith.constant 0 : i32
    %c0_i32_1 = arith.constant 0 : i32
    return %c0_i32, %c0_i32_0 : i32, i32
  }
  func.func @transform_4(%arg0: i32, %arg1: i32) -> (i32, i32) {
    %c0_i32 = arith.constant 0 : i32
    %c0_i32_0 = arith.constant 0 : i32
    %c0_i32_1 = arith.constant 0 : i32
    return %c0_i32, %c0_i32_0 : i32, i32
  }
  func.func @transform_5(%arg0: i32, %arg1: i32) -> (i32, i32) {
    %c0_i32 = arith.constant 0 : i32
    %c0_i32_0 = arith.constant 0 : i32
    %c0_i32_1 = arith.constant 0 : i32
    return %c0_i32, %c0_i32_0 : i32, i32
  }
  func.func @transform_6(%arg0: i32, %arg1: i32) -> (i32, i32) {
    %mul3A = arith.constant 8 : i32
    %mul3A_0 = arith.muli %arg0, %mul3A : i32
    %add3A = arith.addi %mul3A_0, %arg1 : i32
    %c0_i32 = arith.constant 0 : i32
    %c0_i32_1 = arith.constant 0 : i32
    return %add3A, %c0_i32 : i32, i32
  }
}

module attributes {stable_mosaic.version = 14 : i64} {
  func.func @_k2_body(%arg0: i32, %arg1: memref<1024x128xf32, #tpu.memory_space<vmem>>, %arg2: memref<9x128x64xf32, #tpu.memory_space<vmem>>, %arg3: memref<64x128xf32, #tpu.memory_space<vmem>>, %arg4: memref<128x64xf32, #tpu.memory_space<vmem>>, %arg5: memref<1x64xf32, #tpu.memory_space<vmem>>, %arg6: memref<64x1024xf32, #tpu.memory_space<vmem>>, %arg7: memref<1x1024xf32, #tpu.memory_space<vmem>>, %arg8: memref<1024x64xf32, #tpu.memory_space<vmem>>, %arg9: memref<1x1024x1xi32, #tpu.memory_space<vmem>>, %arg10: memref<1x1xf32, #tpu.memory_space<vmem>>, %arg11: memref<1x1024xf32, #tpu.memory_space<vmem>>) attributes {dimension_semantics = [#tpu.dimension_semantics<arbitrary>], iteration_bounds = array<i64: 8>, scalar_prefetch = 0 : i64, scratch_operands = 1 : i64, tpu.core_type = #tpu.core_type<tc>, window_params = [{transform_indices = @transform_0, window_bounds = array<i64: 1024, 128>}, {pipeline_mode = #tpu.pipeline_mode<synchronous>, transform_indices = @transform_1, window_bounds = array<i64: 9, 128, 64>}, {pipeline_mode = #tpu.pipeline_mode<synchronous>, transform_indices = @transform_2, window_bounds = array<i64: 64, 128>}, {pipeline_mode = #tpu.pipeline_mode<synchronous>, transform_indices = @transform_3, window_bounds = array<i64: 128, 64>}, {pipeline_mode = #tpu.pipeline_mode<synchronous>, transform_indices = @transform_4, window_bounds = array<i64: 1, 64>}, {pipeline_mode = #tpu.pipeline_mode<synchronous>, transform_indices = @transform_5, window_bounds = array<i64: 64, 1024>}, {pipeline_mode = #tpu.pipeline_mode<synchronous>, transform_indices = @transform_6, window_bounds = array<i64: 1, 1024>}, {transform_indices = @transform_7, window_bounds = array<i64: 1024, 64>}, {transform_indices = @transform_8, window_bounds = array<i64: 1, 1024, 1>}, {pipeline_mode = #tpu.pipeline_mode<synchronous>, transform_indices = @transform_9, window_bounds = array<i64: 1, 1>}]} {
    %get3A = arith.constant 0 : index
    %get3A_0 = arith.constant 0 : index
    %get3A_1 = vector.load %arg1[%get3A, %get3A_0] : memref<1024x128xf32, #tpu.memory_space<vmem>>, vector<1024x128xf32>
    %max3A = arith.constant 0.000000e+00 : f32
    %max3A_2 = vector.broadcast %max3A : f32 to vector<1024x128xf32>
    %max3A_3 = arith.maximumf %get3A_1, %max3A_2 : vector<1024x128xf32>
    %broadcast_in_dim3A = arith.constant 0.000000e+00 : f32
    %broadcast_in_dim3A_4 = vector.broadcast %broadcast_in_dim3A : f32 to vector<1024x64xf32>
    %broadcast_in_dim3A_5 = arith.constant 0.000000e+00 : f32
    %broadcast_in_dim3A_6 = vector.broadcast %broadcast_in_dim3A_5 : f32 to vector<33x128xf32>
    %slice3A = vector.extract_strided_slice %max3A_3 {offsets = [0, 0], sizes = [991, 128], strides = [1, 1]} : vector<1024x128xf32> to vector<991x128xf32>
    %concatenate3A = tpu.concatenate %broadcast_in_dim3A_6, %slice3A in 0 : vector<33x128xf32>, vector<991x128xf32> -> vector<1024x128xf32>
    %iota3A = tpu.iota {dimensions = array<i32: 0>} : vector<1024x1xi32>
    %jit3A = arith.constant 32 : i32
    %eq3A = arith.constant 0 : i32
    %eq3A_7 = arith.cmpi eq, %jit3A, %eq3A : i32
    %jit3A_8 = arith.constant 1 : i32
    %select_n3A = arith.select %eq3A_7, %jit3A_8, %jit3A : i32
    %rem3A = vector.broadcast %select_n3A : i32 to vector<1024x1xi32>
    %rem3A_9 = arith.remsi %iota3A, %rem3A : vector<1024x1xi32>
    %ne3A = arith.constant 0 : i32
    %ne3A_10 = vector.broadcast %ne3A : i32 to vector<1024x1xi32>
    %ne3A_11 = arith.cmpi ne, %rem3A_9, %ne3A_10 : vector<1024x1xi32>
    %lt3A = arith.constant 0 : i32
    %lt3A_12 = vector.broadcast %lt3A : i32 to vector<1024x1xi32>
    %lt3A_13 = arith.cmpi slt, %rem3A_9, %lt3A_12 : vector<1024x1xi32>
    %lt3A_14 = arith.constant 0 : i32
    %lt3A_15 = arith.cmpi slt, %select_n3A, %lt3A_14 : i32
    %ne3A_16 = vector.broadcast %lt3A_15 : i1 to vector<1024x1xi1>
    %ne3A_17 = vector.broadcast %ne3A_16 : vector<1024x1xi1> to vector<1024x1xi1>
    %ne3A_18 = arith.xori %lt3A_13, %ne3A_17 : vector<1024x1xi1>
    %and3A = arith.andi %ne3A_18, %ne3A_11 : vector<1024x1xi1>
    %add3A = vector.broadcast %select_n3A : i32 to vector<1024x1xi32>
    %add3A_19 = arith.addi %rem3A_9, %add3A : vector<1024x1xi32>
    %select_n3A_20 = arith.select %and3A, %add3A_19, %rem3A_9 : vector<1024x1xi1>, vector<1024x1xi32>
    %add3A_21 = arith.constant -1 : i32
    %add3A_22 = vector.broadcast %add3A_21 : i32 to vector<1024x1xi32>
    %add3A_23 = arith.addi %select_n3A_20, %add3A_22 : vector<1024x1xi32>
    %ge3A = arith.constant 0 : i32
    %ge3A_24 = vector.broadcast %ge3A : i32 to vector<1024x1xi32>
    %ge3A_25 = arith.cmpi sge, %add3A_23, %ge3A_24 : vector<1024x1xi32>
    %add3A_26 = arith.constant -1 : i32
    %add3A_27 = vector.broadcast %add3A_26 : i32 to vector<1024x1xi32>
    %add3A_28 = arith.addi %select_n3A_20, %add3A_27 : vector<1024x1xi32>
    %lt3A_29 = arith.constant 32 : i32
    %lt3A_30 = vector.broadcast %lt3A_29 : i32 to vector<1024x1xi32>
    %lt3A_31 = arith.cmpi slt, %add3A_28, %lt3A_30 : vector<1024x1xi32>
    %and3A_32 = arith.andi %ge3A_25, %lt3A_31 : vector<1024x1xi1>
    %jit3A_33 = arith.constant 0.000000e+00 : f32
    %broadcast_in_dim3A_34 = vector.shape_cast %and3A_32 : vector<1024x1xi1> to vector<1024x1xi1>
    %broadcast_in_dim3A_35 = vector.broadcast %broadcast_in_dim3A_34 : vector<1024x1xi1> to vector<1024x128xi1>
    %broadcast_in_dim3A_36 = vector.broadcast %jit3A_33 : f32 to vector<1024x128xf32>
    %select_n3A_37 = arith.select %broadcast_in_dim3A_35, %concatenate3A, %broadcast_in_dim3A_36 : vector<1024x128xi1>, vector<1024x128xf32>
    %get3A_38 = arith.constant 0 : index
    %get3A_39 = arith.constant 0 : index
    %get3A_40 = arith.constant 0 : index
    %get3A_41 = vector.load %arg2[%get3A_38, %get3A_39, %get3A_40] : memref<9x128x64xf32, #tpu.memory_space<vmem>>, vector<1x128x64xf32>
    %get3A_42 = vector.shape_cast %get3A_41 : vector<1x128x64xf32> to vector<128x64xf32>
    %dot_general3A = arith.constant dense<0.000000e+00> : vector<1024x64xf32>
    %dot_general3A_43 = tpu.matmul %select_n3A_37, %get3A_42, %dot_general3A {dimension_numbers = #tpu.dot_dimension_numbers<[1], [0], [0], [1], [0, 0, 1, 1], [], []>, transpose_lhs_hint = false} : vector<1024x128xf32>, vector<128x64xf32>, vector<1024x64xf32> -> vector<1024x64xf32>
    %add3A_44 = arith.addf %broadcast_in_dim3A_4, %dot_general3A_43 : vector<1024x64xf32>
    %broadcast_in_dim3A_45 = arith.constant 0.000000e+00 : f32
    %broadcast_in_dim3A_46 = vector.broadcast %broadcast_in_dim3A_45 : f32 to vector<32x128xf32>
    %slice3A_47 = vector.extract_strided_slice %max3A_3 {offsets = [0, 0], sizes = [992, 128], strides = [1, 1]} : vector<1024x128xf32> to vector<992x128xf32>
    %concatenate3A_48 = tpu.concatenate %broadcast_in_dim3A_46, %slice3A_47 in 0 : vector<32x128xf32>, vector<992x128xf32> -> vector<1024x128xf32>
    %get3A_49 = arith.constant 1 : index
    %get3A_50 = arith.constant 0 : index
    %get3A_51 = arith.constant 0 : index
    %get3A_52 = vector.load %arg2[%get3A_49, %get3A_50, %get3A_51] : memref<9x128x64xf32, #tpu.memory_space<vmem>>, vector<1x128x64xf32>
    %get3A_53 = vector.shape_cast %get3A_52 : vector<1x128x64xf32> to vector<128x64xf32>
    %dot_general3A_54 = arith.constant dense<0.000000e+00> : vector<1024x64xf32>
    %dot_general3A_55 = tpu.matmul %concatenate3A_48, %get3A_53, %dot_general3A_54 {dimension_numbers = #tpu.dot_dimension_numbers<[1], [0], [0], [1], [0, 0, 1, 1], [], []>, transpose_lhs_hint = false} : vector<1024x128xf32>, vector<128x64xf32>, vector<1024x64xf32> -> vector<1024x64xf32>
    %add3A_56 = arith.addf %add3A_44, %dot_general3A_55 : vector<1024x64xf32>
    %broadcast_in_dim3A_57 = arith.constant 0.000000e+00 : f32
    %broadcast_in_dim3A_58 = vector.broadcast %broadcast_in_dim3A_57 : f32 to vector<31x128xf32>
    %slice3A_59 = vector.extract_strided_slice %max3A_3 {offsets = [0, 0], sizes = [993, 128], strides = [1, 1]} : vector<1024x128xf32> to vector<993x128xf32>
    %concatenate3A_60 = tpu.concatenate %broadcast_in_dim3A_58, %slice3A_59 in 0 : vector<31x128xf32>, vector<993x128xf32> -> vector<1024x128xf32>
    %iota3A_61 = tpu.iota {dimensions = array<i32: 0>} : vector<1024x1xi32>
    %jit3A_62 = arith.constant 32 : i32
    %eq3A_63 = arith.constant 0 : i32
    %eq3A_64 = arith.cmpi eq, %jit3A_62, %eq3A_63 : i32
    %jit3A_65 = arith.constant 1 : i32
    %select_n3A_66 = arith.select %eq3A_64, %jit3A_65, %jit3A_62 : i32
    %rem3A_67 = vector.broadcast %select_n3A_66 : i32 to vector<1024x1xi32>
    %rem3A_68 = arith.remsi %iota3A_61, %rem3A_67 : vector<1024x1xi32>
    %ne3A_69 = arith.constant 0 : i32
    %ne3A_70 = vector.broadcast %ne3A_69 : i32 to vector<1024x1xi32>
    %ne3A_71 = arith.cmpi ne, %rem3A_68, %ne3A_70 : vector<1024x1xi32>
    %lt3A_72 = arith.constant 0 : i32
    %lt3A_73 = vector.broadcast %lt3A_72 : i32 to vector<1024x1xi32>
    %lt3A_74 = arith.cmpi slt, %rem3A_68, %lt3A_73 : vector<1024x1xi32>
    %lt3A_75 = arith.constant 0 : i32
    %lt3A_76 = arith.cmpi slt, %select_n3A_66, %lt3A_75 : i32
    %ne3A_77 = vector.broadcast %lt3A_76 : i1 to vector<1024x1xi1>
    %ne3A_78 = vector.broadcast %ne3A_77 : vector<1024x1xi1> to vector<1024x1xi1>
    %ne3A_79 = arith.xori %lt3A_74, %ne3A_78 : vector<1024x1xi1>
    %and3A_80 = arith.andi %ne3A_79, %ne3A_71 : vector<1024x1xi1>
    %add3A_81 = vector.broadcast %select_n3A_66 : i32 to vector<1024x1xi32>
    %add3A_82 = arith.addi %rem3A_68, %add3A_81 : vector<1024x1xi32>
    %select_n3A_83 = arith.select %and3A_80, %add3A_82, %rem3A_68 : vector<1024x1xi1>, vector<1024x1xi32>
    %add3A_84 = arith.constant 1 : i32
    %add3A_85 = vector.broadcast %add3A_84 : i32 to vector<1024x1xi32>
    %add3A_86 = arith.addi %select_n3A_83, %add3A_85 : vector<1024x1xi32>
    %ge3A_87 = arith.constant 0 : i32
    %ge3A_88 = vector.broadcast %ge3A_87 : i32 to vector<1024x1xi32>
    %ge3A_89 = arith.cmpi sge, %add3A_86, %ge3A_88 : vector<1024x1xi32>
    %add3A_90 = arith.constant 1 : i32
    %add3A_91 = vector.broadcast %add3A_90 : i32 to vector<1024x1xi32>
    %add3A_92 = arith.addi %select_n3A_83, %add3A_91 : vector<1024x1xi32>
    %lt3A_93 = arith.constant 32 : i32
    %lt3A_94 = vector.broadcast %lt3A_93 : i32 to vector<1024x1xi32>
    %lt3A_95 = arith.cmpi slt, %add3A_92, %lt3A_94 : vector<1024x1xi32>
    %and3A_96 = arith.andi %ge3A_89, %lt3A_95 : vector<1024x1xi1>
    %jit3A_97 = arith.constant 0.000000e+00 : f32
    %broadcast_in_dim3A_98 = vector.shape_cast %and3A_96 : vector<1024x1xi1> to vector<1024x1xi1>
    %broadcast_in_dim3A_99 = vector.broadcast %broadcast_in_dim3A_98 : vector<1024x1xi1> to vector<1024x128xi1>
    %broadcast_in_dim3A_100 = vector.broadcast %jit3A_97 : f32 to vector<1024x128xf32>
    %select_n3A_101 = arith.select %broadcast_in_dim3A_99, %concatenate3A_60, %broadcast_in_dim3A_100 : vector<1024x128xi1>, vector<1024x128xf32>
    %get3A_102 = arith.constant 2 : index
    %get3A_103 = arith.constant 0 : index
    %get3A_104 = arith.constant 0 : index
    %get3A_105 = vector.load %arg2[%get3A_102, %get3A_103, %get3A_104] : memref<9x128x64xf32, #tpu.memory_space<vmem>>, vector<1x128x64xf32>
    %get3A_106 = vector.shape_cast %get3A_105 : vector<1x128x64xf32> to vector<128x64xf32>
    %dot_general3A_107 = arith.constant dense<0.000000e+00> : vector<1024x64xf32>
    %dot_general3A_108 = tpu.matmul %select_n3A_101, %get3A_106, %dot_general3A_107 {dimension_numbers = #tpu.dot_dimension_numbers<[1], [0], [0], [1], [0, 0, 1, 1], [], []>, transpose_lhs_hint = false} : vector<1024x128xf32>, vector<128x64xf32>, vector<1024x64xf32> -> vector<1024x64xf32>
    %add3A_109 = arith.addf %add3A_56, %dot_general3A_108 : vector<1024x64xf32>
    %broadcast_in_dim3A_110 = arith.constant 0.000000e+00 : f32
    %broadcast_in_dim3A_111 = vector.broadcast %broadcast_in_dim3A_110 : f32 to vector<1x128xf32>
    %slice3A_112 = vector.extract_strided_slice %max3A_3 {offsets = [0, 0], sizes = [1023, 128], strides = [1, 1]} : vector<1024x128xf32> to vector<1023x128xf32>
    %concatenate3A_113 = tpu.concatenate %broadcast_in_dim3A_111, %slice3A_112 in 0 : vector<1x128xf32>, vector<1023x128xf32> -> vector<1024x128xf32>
    %iota3A_114 = tpu.iota {dimensions = array<i32: 0>} : vector<1024x1xi32>
    %jit3A_115 = arith.constant 32 : i32
    %eq3A_116 = arith.constant 0 : i32
    %eq3A_117 = arith.cmpi eq, %jit3A_115, %eq3A_116 : i32
    %jit3A_118 = arith.constant 1 : i32
    %select_n3A_119 = arith.select %eq3A_117, %jit3A_118, %jit3A_115 : i32
    %rem3A_120 = vector.broadcast %select_n3A_119 : i32 to vector<1024x1xi32>
    %rem3A_121 = arith.remsi %iota3A_114, %rem3A_120 : vector<1024x1xi32>
    %ne3A_122 = arith.constant 0 : i32
    %ne3A_123 = vector.broadcast %ne3A_122 : i32 to vector<1024x1xi32>
    %ne3A_124 = arith.cmpi ne, %rem3A_121, %ne3A_123 : vector<1024x1xi32>
    %lt3A_125 = arith.constant 0 : i32
    %lt3A_126 = vector.broadcast %lt3A_125 : i32 to vector<1024x1xi32>
    %lt3A_127 = arith.cmpi slt, %rem3A_121, %lt3A_126 : vector<1024x1xi32>
    %lt3A_128 = arith.constant 0 : i32
    %lt3A_129 = arith.cmpi slt, %select_n3A_119, %lt3A_128 : i32
    %ne3A_130 = vector.broadcast %lt3A_129 : i1 to vector<1024x1xi1>
    %ne3A_131 = vector.broadcast %ne3A_130 : vector<1024x1xi1> to vector<1024x1xi1>
    %ne3A_132 = arith.xori %lt3A_127, %ne3A_131 : vector<1024x1xi1>
    %and3A_133 = arith.andi %ne3A_132, %ne3A_124 : vector<1024x1xi1>
    %add3A_134 = vector.broadcast %select_n3A_119 : i32 to vector<1024x1xi32>
    %add3A_135 = arith.addi %rem3A_121, %add3A_134 : vector<1024x1xi32>
    %select_n3A_136 = arith.select %and3A_133, %add3A_135, %rem3A_121 : vector<1024x1xi1>, vector<1024x1xi32>
    %add3A_137 = arith.constant -1 : i32
    %add3A_138 = vector.broadcast %add3A_137 : i32 to vector<1024x1xi32>
    %add3A_139 = arith.addi %select_n3A_136, %add3A_138 : vector<1024x1xi32>
    %ge3A_140 = arith.constant 0 : i32
    %ge3A_141 = vector.broadcast %ge3A_140 : i32 to vector<1024x1xi32>
    %ge3A_142 = arith.cmpi sge, %add3A_139, %ge3A_141 : vector<1024x1xi32>
    %add3A_143 = arith.constant -1 : i32
    %add3A_144 = vector.broadcast %add3A_143 : i32 to vector<1024x1xi32>
    %add3A_145 = arith.addi %select_n3A_136, %add3A_144 : vector<1024x1xi32>
    %lt3A_146 = arith.constant 32 : i32
    %lt3A_147 = vector.broadcast %lt3A_146 : i32 to vector<1024x1xi32>
    %lt3A_148 = arith.cmpi slt, %add3A_145, %lt3A_147 : vector<1024x1xi32>
    %and3A_149 = arith.andi %ge3A_142, %lt3A_148 : vector<1024x1xi1>
    %jit3A_150 = arith.constant 0.000000e+00 : f32
    %broadcast_in_dim3A_151 = vector.shape_cast %and3A_149 : vector<1024x1xi1> to vector<1024x1xi1>
    %broadcast_in_dim3A_152 = vector.broadcast %broadcast_in_dim3A_151 : vector<1024x1xi1> to vector<1024x128xi1>
    %broadcast_in_dim3A_153 = vector.broadcast %jit3A_150 : f32 to vector<1024x128xf32>
    %select_n3A_154 = arith.select %broadcast_in_dim3A_152, %concatenate3A_113, %broadcast_in_dim3A_153 : vector<1024x128xi1>, vector<1024x128xf32>
    %get3A_155 = arith.constant 3 : index
    %get3A_156 = arith.constant 0 : index
    %get3A_157 = arith.constant 0 : index
    %get3A_158 = vector.load %arg2[%get3A_155, %get3A_156, %get3A_157] : memref<9x128x64xf32, #tpu.memory_space<vmem>>, vector<1x128x64xf32>
    %get3A_159 = vector.shape_cast %get3A_158 : vector<1x128x64xf32> to vector<128x64xf32>
    %dot_general3A_160 = arith.constant dense<0.000000e+00> : vector<1024x64xf32>
    %dot_general3A_161 = tpu.matmul %select_n3A_154, %get3A_159, %dot_general3A_160 {dimension_numbers = #tpu.dot_dimension_numbers<[1], [0], [0], [1], [0, 0, 1, 1], [], []>, transpose_lhs_hint = false} : vector<1024x128xf32>, vector<128x64xf32>, vector<1024x64xf32> -> vector<1024x64xf32>
    %add3A_162 = arith.addf %add3A_109, %dot_general3A_161 : vector<1024x64xf32>
    %get3A_163 = arith.constant 4 : index
    %get3A_164 = arith.constant 0 : index
    %get3A_165 = arith.constant 0 : index
    %get3A_166 = vector.load %arg2[%get3A_163, %get3A_164, %get3A_165] : memref<9x128x64xf32, #tpu.memory_space<vmem>>, vector<1x128x64xf32>
    %get3A_167 = vector.shape_cast %get3A_166 : vector<1x128x64xf32> to vector<128x64xf32>
    %dot_general3A_168 = arith.constant dense<0.000000e+00> : vector<1024x64xf32>
    %dot_general3A_169 = tpu.matmul %max3A_3, %get3A_167, %dot_general3A_168 {dimension_numbers = #tpu.dot_dimension_numbers<[1], [0], [0], [1], [0, 0, 1, 1], [], []>, transpose_lhs_hint = false} : vector<1024x128xf32>, vector<128x64xf32>, vector<1024x64xf32> -> vector<1024x64xf32>
    %add3A_170 = arith.addf %add3A_162, %dot_general3A_169 : vector<1024x64xf32>
    %slice3A_171 = vector.extract_strided_slice %max3A_3 {offsets = [1, 0], sizes = [1023, 128], strides = [1, 1]} : vector<1024x128xf32> to vector<1023x128xf32>
    %broadcast_in_dim3A_172 = arith.constant 0.000000e+00 : f32
    %broadcast_in_dim3A_173 = vector.broadcast %broadcast_in_dim3A_172 : f32 to vector<1x128xf32>
    %concatenate3A_174 = tpu.concatenate %slice3A_171, %broadcast_in_dim3A_173 in 0 : vector<1023x128xf32>, vector<1x128xf32> -> vector<1024x128xf32>
    %iota3A_175 = tpu.iota {dimensions = array<i32: 0>} : vector<1024x1xi32>
    %jit3A_176 = arith.constant 32 : i32
    %eq3A_177 = arith.constant 0 : i32
    %eq3A_178 = arith.cmpi eq, %jit3A_176, %eq3A_177 : i32
    %jit3A_179 = arith.constant 1 : i32
    %select_n3A_180 = arith.select %eq3A_178, %jit3A_179, %jit3A_176 : i32
    %rem3A_181 = vector.broadcast %select_n3A_180 : i32 to vector<1024x1xi32>
    %rem3A_182 = arith.remsi %iota3A_175, %rem3A_181 : vector<1024x1xi32>
    %ne3A_183 = arith.constant 0 : i32
    %ne3A_184 = vector.broadcast %ne3A_183 : i32 to vector<1024x1xi32>
    %ne3A_185 = arith.cmpi ne, %rem3A_182, %ne3A_184 : vector<1024x1xi32>
    %lt3A_186 = arith.constant 0 : i32
    %lt3A_187 = vector.broadcast %lt3A_186 : i32 to vector<1024x1xi32>
    %lt3A_188 = arith.cmpi slt, %rem3A_182, %lt3A_187 : vector<1024x1xi32>
    %lt3A_189 = arith.constant 0 : i32
    %lt3A_190 = arith.cmpi slt, %select_n3A_180, %lt3A_189 : i32
    %ne3A_191 = vector.broadcast %lt3A_190 : i1 to vector<1024x1xi1>
    %ne3A_192 = vector.broadcast %ne3A_191 : vector<1024x1xi1> to vector<1024x1xi1>
    %ne3A_193 = arith.xori %lt3A_188, %ne3A_192 : vector<1024x1xi1>
    %and3A_194 = arith.andi %ne3A_193, %ne3A_185 : vector<1024x1xi1>
    %add3A_195 = vector.broadcast %select_n3A_180 : i32 to vector<1024x1xi32>
    %add3A_196 = arith.addi %rem3A_182, %add3A_195 : vector<1024x1xi32>
    %select_n3A_197 = arith.select %and3A_194, %add3A_196, %rem3A_182 : vector<1024x1xi1>, vector<1024x1xi32>
    %add3A_198 = arith.constant 1 : i32
    %add3A_199 = vector.broadcast %add3A_198 : i32 to vector<1024x1xi32>
    %add3A_200 = arith.addi %select_n3A_197, %add3A_199 : vector<1024x1xi32>
    %ge3A_201 = arith.constant 0 : i32
    %ge3A_202 = vector.broadcast %ge3A_201 : i32 to vector<1024x1xi32>
    %ge3A_203 = arith.cmpi sge, %add3A_200, %ge3A_202 : vector<1024x1xi32>
    %add3A_204 = arith.constant 1 : i32
    %add3A_205 = vector.broadcast %add3A_204 : i32 to vector<1024x1xi32>
    %add3A_206 = arith.addi %select_n3A_197, %add3A_205 : vector<1024x1xi32>
    %lt3A_207 = arith.constant 32 : i32
    %lt3A_208 = vector.broadcast %lt3A_207 : i32 to vector<1024x1xi32>
    %lt3A_209 = arith.cmpi slt, %add3A_206, %lt3A_208 : vector<1024x1xi32>
    %and3A_210 = arith.andi %ge3A_203, %lt3A_209 : vector<1024x1xi1>
    %jit3A_211 = arith.constant 0.000000e+00 : f32
    %broadcast_in_dim3A_212 = vector.shape_cast %and3A_210 : vector<1024x1xi1> to vector<1024x1xi1>
    %broadcast_in_dim3A_213 = vector.broadcast %broadcast_in_dim3A_212 : vector<1024x1xi1> to vector<1024x128xi1>
    %broadcast_in_dim3A_214 = vector.broadcast %jit3A_211 : f32 to vector<1024x128xf32>
    %select_n3A_215 = arith.select %broadcast_in_dim3A_213, %concatenate3A_174, %broadcast_in_dim3A_214 : vector<1024x128xi1>, vector<1024x128xf32>
    %get3A_216 = arith.constant 5 : index
    %get3A_217 = arith.constant 0 : index
    %get3A_218 = arith.constant 0 : index
    %get3A_219 = vector.load %arg2[%get3A_216, %get3A_217, %get3A_218] : memref<9x128x64xf32, #tpu.memory_space<vmem>>, vector<1x128x64xf32>
    %get3A_220 = vector.shape_cast %get3A_219 : vector<1x128x64xf32> to vector<128x64xf32>
    %dot_general3A_221 = arith.constant dense<0.000000e+00> : vector<1024x64xf32>
    %dot_general3A_222 = tpu.matmul %select_n3A_215, %get3A_220, %dot_general3A_221 {dimension_numbers = #tpu.dot_dimension_numbers<[1], [0], [0], [1], [0, 0, 1, 1], [], []>, transpose_lhs_hint = false} : vector<1024x128xf32>, vector<128x64xf32>, vector<1024x64xf32> -> vector<1024x64xf32>
    %add3A_223 = arith.addf %add3A_170, %dot_general3A_222 : vector<1024x64xf32>
    %slice3A_224 = vector.extract_strided_slice %max3A_3 {offsets = [31, 0], sizes = [993, 128], strides = [1, 1]} : vector<1024x128xf32> to vector<993x128xf32>
    %broadcast_in_dim3A_225 = arith.constant 0.000000e+00 : f32
    %broadcast_in_dim3A_226 = vector.broadcast %broadcast_in_dim3A_225 : f32 to vector<31x128xf32>
    %concatenate3A_227 = tpu.concatenate %slice3A_224, %broadcast_in_dim3A_226 in 0 : vector<993x128xf32>, vector<31x128xf32> -> vector<1024x128xf32>
    %iota3A_228 = tpu.iota {dimensions = array<i32: 0>} : vector<1024x1xi32>
    %jit3A_229 = arith.constant 32 : i32
    %eq3A_230 = arith.constant 0 : i32
    %eq3A_231 = arith.cmpi eq, %jit3A_229, %eq3A_230 : i32
    %jit3A_232 = arith.constant 1 : i32
    %select_n3A_233 = arith.select %eq3A_231, %jit3A_232, %jit3A_229 : i32
    %rem3A_234 = vector.broadcast %select_n3A_233 : i32 to vector<1024x1xi32>
    %rem3A_235 = arith.remsi %iota3A_228, %rem3A_234 : vector<1024x1xi32>
    %ne3A_236 = arith.constant 0 : i32
    %ne3A_237 = vector.broadcast %ne3A_236 : i32 to vector<1024x1xi32>
    %ne3A_238 = arith.cmpi ne, %rem3A_235, %ne3A_237 : vector<1024x1xi32>
    %lt3A_239 = arith.constant 0 : i32
    %lt3A_240 = vector.broadcast %lt3A_239 : i32 to vector<1024x1xi32>
    %lt3A_241 = arith.cmpi slt, %rem3A_235, %lt3A_240 : vector<1024x1xi32>
    %lt3A_242 = arith.constant 0 : i32
    %lt3A_243 = arith.cmpi slt, %select_n3A_233, %lt3A_242 : i32
    %ne3A_244 = vector.broadcast %lt3A_243 : i1 to vector<1024x1xi1>
    %ne3A_245 = vector.broadcast %ne3A_244 : vector<1024x1xi1> to vector<1024x1xi1>
    %ne3A_246 = arith.xori %lt3A_241, %ne3A_245 : vector<1024x1xi1>
    %and3A_247 = arith.andi %ne3A_246, %ne3A_238 : vector<1024x1xi1>
    %add3A_248 = vector.broadcast %select_n3A_233 : i32 to vector<1024x1xi32>
    %add3A_249 = arith.addi %rem3A_235, %add3A_248 : vector<1024x1xi32>
    %select_n3A_250 = arith.select %and3A_247, %add3A_249, %rem3A_235 : vector<1024x1xi1>, vector<1024x1xi32>
    %add3A_251 = arith.constant -1 : i32
    %add3A_252 = vector.broadcast %add3A_251 : i32 to vector<1024x1xi32>
    %add3A_253 = arith.addi %select_n3A_250, %add3A_252 : vector<1024x1xi32>
    %ge3A_254 = arith.constant 0 : i32
    %ge3A_255 = vector.broadcast %ge3A_254 : i32 to vector<1024x1xi32>
    %ge3A_256 = arith.cmpi sge, %add3A_253, %ge3A_255 : vector<1024x1xi32>
    %add3A_257 = arith.constant -1 : i32
    %add3A_258 = vector.broadcast %add3A_257 : i32 to vector<1024x1xi32>
    %add3A_259 = arith.addi %select_n3A_250, %add3A_258 : vector<1024x1xi32>
    %lt3A_260 = arith.constant 32 : i32
    %lt3A_261 = vector.broadcast %lt3A_260 : i32 to vector<1024x1xi32>
    %lt3A_262 = arith.cmpi slt, %add3A_259, %lt3A_261 : vector<1024x1xi32>
    %and3A_263 = arith.andi %ge3A_256, %lt3A_262 : vector<1024x1xi1>
    %jit3A_264 = arith.constant 0.000000e+00 : f32
    %broadcast_in_dim3A_265 = vector.shape_cast %and3A_263 : vector<1024x1xi1> to vector<1024x1xi1>
    %broadcast_in_dim3A_266 = vector.broadcast %broadcast_in_dim3A_265 : vector<1024x1xi1> to vector<1024x128xi1>
    %broadcast_in_dim3A_267 = vector.broadcast %jit3A_264 : f32 to vector<1024x128xf32>
    %select_n3A_268 = arith.select %broadcast_in_dim3A_266, %concatenate3A_227, %broadcast_in_dim3A_267 : vector<1024x128xi1>, vector<1024x128xf32>
    %get3A_269 = arith.constant 6 : index
    %get3A_270 = arith.constant 0 : index
    %get3A_271 = arith.constant 0 : index
    %get3A_272 = vector.load %arg2[%get3A_269, %get3A_270, %get3A_271] : memref<9x128x64xf32, #tpu.memory_space<vmem>>, vector<1x128x64xf32>
    %get3A_273 = vector.shape_cast %get3A_272 : vector<1x128x64xf32> to vector<128x64xf32>
    %dot_general3A_274 = arith.constant dense<0.000000e+00> : vector<1024x64xf32>
    %dot_general3A_275 = tpu.matmul %select_n3A_268, %get3A_273, %dot_general3A_274 {dimension_numbers = #tpu.dot_dimension_numbers<[1], [0], [0], [1], [0, 0, 1, 1], [], []>, transpose_lhs_hint = false} : vector<1024x128xf32>, vector<128x64xf32>, vector<1024x64xf32> -> vector<1024x64xf32>
    %add3A_276 = arith.addf %add3A_223, %dot_general3A_275 : vector<1024x64xf32>
    %slice3A_277 = vector.extract_strided_slice %max3A_3 {offsets = [32, 0], sizes = [992, 128], strides = [1, 1]} : vector<1024x128xf32> to vector<992x128xf32>
    %broadcast_in_dim3A_278 = arith.constant 0.000000e+00 : f32
    %broadcast_in_dim3A_279 = vector.broadcast %broadcast_in_dim3A_278 : f32 to vector<32x128xf32>
    %concatenate3A_280 = tpu.concatenate %slice3A_277, %broadcast_in_dim3A_279 in 0 : vector<992x128xf32>, vector<32x128xf32> -> vector<1024x128xf32>
    %get3A_281 = arith.constant 7 : index
    %get3A_282 = arith.constant 0 : index
    %get3A_283 = arith.constant 0 : index
    %get3A_284 = vector.load %arg2[%get3A_281, %get3A_282, %get3A_283] : memref<9x128x64xf32, #tpu.memory_space<vmem>>, vector<1x128x64xf32>
    %get3A_285 = vector.shape_cast %get3A_284 : vector<1x128x64xf32> to vector<128x64xf32>
    %dot_general3A_286 = arith.constant dense<0.000000e+00> : vector<1024x64xf32>
    %dot_general3A_287 = tpu.matmul %concatenate3A_280, %get3A_285, %dot_general3A_286 {dimension_numbers = #tpu.dot_dimension_numbers<[1], [0], [0], [1], [0, 0, 1, 1], [], []>, transpose_lhs_hint = false} : vector<1024x128xf32>, vector<128x64xf32>, vector<1024x64xf32> -> vector<1024x64xf32>
    %add3A_288 = arith.addf %add3A_276, %dot_general3A_287 : vector<1024x64xf32>
    %slice3A_289 = vector.extract_strided_slice %max3A_3 {offsets = [33, 0], sizes = [991, 128], strides = [1, 1]} : vector<1024x128xf32> to vector<991x128xf32>
    %broadcast_in_dim3A_290 = arith.constant 0.000000e+00 : f32
    %broadcast_in_dim3A_291 = vector.broadcast %broadcast_in_dim3A_290 : f32 to vector<33x128xf32>
    %concatenate3A_292 = tpu.concatenate %slice3A_289, %broadcast_in_dim3A_291 in 0 : vector<991x128xf32>, vector<33x128xf32> -> vector<1024x128xf32>
    %iota3A_293 = tpu.iota {dimensions = array<i32: 0>} : vector<1024x1xi32>
    %jit3A_294 = arith.constant 32 : i32
    %eq3A_295 = arith.constant 0 : i32
    %eq3A_296 = arith.cmpi eq, %jit3A_294, %eq3A_295 : i32
    %jit3A_297 = arith.constant 1 : i32
    %select_n3A_298 = arith.select %eq3A_296, %jit3A_297, %jit3A_294 : i32
    %rem3A_299 = vector.broadcast %select_n3A_298 : i32 to vector<1024x1xi32>
    %rem3A_300 = arith.remsi %iota3A_293, %rem3A_299 : vector<1024x1xi32>
    %ne3A_301 = arith.constant 0 : i32
    %ne3A_302 = vector.broadcast %ne3A_301 : i32 to vector<1024x1xi32>
    %ne3A_303 = arith.cmpi ne, %rem3A_300, %ne3A_302 : vector<1024x1xi32>
    %lt3A_304 = arith.constant 0 : i32
    %lt3A_305 = vector.broadcast %lt3A_304 : i32 to vector<1024x1xi32>
    %lt3A_306 = arith.cmpi slt, %rem3A_300, %lt3A_305 : vector<1024x1xi32>
    %lt3A_307 = arith.constant 0 : i32
    %lt3A_308 = arith.cmpi slt, %select_n3A_298, %lt3A_307 : i32
    %ne3A_309 = vector.broadcast %lt3A_308 : i1 to vector<1024x1xi1>
    %ne3A_310 = vector.broadcast %ne3A_309 : vector<1024x1xi1> to vector<1024x1xi1>
    %ne3A_311 = arith.xori %lt3A_306, %ne3A_310 : vector<1024x1xi1>
    %and3A_312 = arith.andi %ne3A_311, %ne3A_303 : vector<1024x1xi1>
    %add3A_313 = vector.broadcast %select_n3A_298 : i32 to vector<1024x1xi32>
    %add3A_314 = arith.addi %rem3A_300, %add3A_313 : vector<1024x1xi32>
    %select_n3A_315 = arith.select %and3A_312, %add3A_314, %rem3A_300 : vector<1024x1xi1>, vector<1024x1xi32>
    %add3A_316 = arith.constant 1 : i32
    %add3A_317 = vector.broadcast %add3A_316 : i32 to vector<1024x1xi32>
    %add3A_318 = arith.addi %select_n3A_315, %add3A_317 : vector<1024x1xi32>
    %ge3A_319 = arith.constant 0 : i32
    %ge3A_320 = vector.broadcast %ge3A_319 : i32 to vector<1024x1xi32>
    %ge3A_321 = arith.cmpi sge, %add3A_318, %ge3A_320 : vector<1024x1xi32>
    %add3A_322 = arith.constant 1 : i32
    %add3A_323 = vector.broadcast %add3A_322 : i32 to vector<1024x1xi32>
    %add3A_324 = arith.addi %select_n3A_315, %add3A_323 : vector<1024x1xi32>
    %lt3A_325 = arith.constant 32 : i32
    %lt3A_326 = vector.broadcast %lt3A_325 : i32 to vector<1024x1xi32>
    %lt3A_327 = arith.cmpi slt, %add3A_324, %lt3A_326 : vector<1024x1xi32>
    %and3A_328 = arith.andi %ge3A_321, %lt3A_327 : vector<1024x1xi1>
    %jit3A_329 = arith.constant 0.000000e+00 : f32
    %broadcast_in_dim3A_330 = vector.shape_cast %and3A_328 : vector<1024x1xi1> to vector<1024x1xi1>
    %broadcast_in_dim3A_331 = vector.broadcast %broadcast_in_dim3A_330 : vector<1024x1xi1> to vector<1024x128xi1>
    %broadcast_in_dim3A_332 = vector.broadcast %jit3A_329 : f32 to vector<1024x128xf32>
    %select_n3A_333 = arith.select %broadcast_in_dim3A_331, %concatenate3A_292, %broadcast_in_dim3A_332 : vector<1024x128xi1>, vector<1024x128xf32>
    %get3A_334 = arith.constant 8 : index
    %get3A_335 = arith.constant 0 : index
    %get3A_336 = arith.constant 0 : index
    %get3A_337 = vector.load %arg2[%get3A_334, %get3A_335, %get3A_336] : memref<9x128x64xf32, #tpu.memory_space<vmem>>, vector<1x128x64xf32>
    %get3A_338 = vector.shape_cast %get3A_337 : vector<1x128x64xf32> to vector<128x64xf32>
    %dot_general3A_339 = arith.constant dense<0.000000e+00> : vector<1024x64xf32>
    %dot_general3A_340 = tpu.matmul %select_n3A_333, %get3A_338, %dot_general3A_339 {dimension_numbers = #tpu.dot_dimension_numbers<[1], [0], [0], [1], [0, 0, 1, 1], [], []>, transpose_lhs_hint = false} : vector<1024x128xf32>, vector<128x64xf32>, vector<1024x64xf32> -> vector<1024x64xf32>
    %add3A_341 = arith.addf %add3A_288, %dot_general3A_340 : vector<1024x64xf32>
    %max3A_342 = arith.constant 0.000000e+00 : f32
    %max3A_343 = vector.broadcast %max3A_342 : f32 to vector<1024x64xf32>
    %max3A_344 = arith.maximumf %add3A_341, %max3A_343 : vector<1024x64xf32>
    %get3A_345 = arith.constant 0 : index
    %get3A_346 = arith.constant 0 : index
    %get3A_347 = vector.load %arg3[%get3A_345, %get3A_346] : memref<64x128xf32, #tpu.memory_space<vmem>>, vector<64x128xf32>
    %dot_general3A_348 = arith.constant dense<0.000000e+00> : vector<1024x128xf32>
    %dot_general3A_349 = tpu.matmul %max3A_344, %get3A_347, %dot_general3A_348 {dimension_numbers = #tpu.dot_dimension_numbers<[1], [0], [0], [1], [0, 0, 1, 1], [], []>, transpose_lhs_hint = false} : vector<1024x64xf32>, vector<64x128xf32>, vector<1024x128xf32> -> vector<1024x128xf32>
    %add3A_350 = arith.addf %get3A_1, %dot_general3A_349 : vector<1024x128xf32>
    %max3A_351 = arith.constant 0.000000e+00 : f32
    %max3A_352 = vector.broadcast %max3A_351 : f32 to vector<1024x128xf32>
    %max3A_353 = arith.maximumf %add3A_350, %max3A_352 : vector<1024x128xf32>
    %broadcast_in_dim3A_354 = arith.constant 0.000000e+00 : f32
    %broadcast_in_dim3A_355 = vector.broadcast %broadcast_in_dim3A_354 : f32 to vector<1024x64xf32>
    %broadcast_in_dim3A_356 = arith.constant 0.000000e+00 : f32
    %broadcast_in_dim3A_357 = vector.broadcast %broadcast_in_dim3A_356 : f32 to vector<33x128xf32>
    %slice3A_358 = vector.extract_strided_slice %max3A_353 {offsets = [0, 0], sizes = [991, 128], strides = [1, 1]} : vector<1024x128xf32> to vector<991x128xf32>
    %concatenate3A_359 = tpu.concatenate %broadcast_in_dim3A_357, %slice3A_358 in 0 : vector<33x128xf32>, vector<991x128xf32> -> vector<1024x128xf32>
    %iota3A_360 = tpu.iota {dimensions = array<i32: 0>} : vector<1024x1xi32>
    %jit3A_361 = arith.constant 32 : i32
    %eq3A_362 = arith.constant 0 : i32
    %eq3A_363 = arith.cmpi eq, %jit3A_361, %eq3A_362 : i32
    %jit3A_364 = arith.constant 1 : i32
    %select_n3A_365 = arith.select %eq3A_363, %jit3A_364, %jit3A_361 : i32
    %rem3A_366 = vector.broadcast %select_n3A_365 : i32 to vector<1024x1xi32>
    %rem3A_367 = arith.remsi %iota3A_360, %rem3A_366 : vector<1024x1xi32>
    %ne3A_368 = arith.constant 0 : i32
    %ne3A_369 = vector.broadcast %ne3A_368 : i32 to vector<1024x1xi32>
    %ne3A_370 = arith.cmpi ne, %rem3A_367, %ne3A_369 : vector<1024x1xi32>
    %lt3A_371 = arith.constant 0 : i32
    %lt3A_372 = vector.broadcast %lt3A_371 : i32 to vector<1024x1xi32>
    %lt3A_373 = arith.cmpi slt, %rem3A_367, %lt3A_372 : vector<1024x1xi32>
    %lt3A_374 = arith.constant 0 : i32
    %lt3A_375 = arith.cmpi slt, %select_n3A_365, %lt3A_374 : i32
    %ne3A_376 = vector.broadcast %lt3A_375 : i1 to vector<1024x1xi1>
    %ne3A_377 = vector.broadcast %ne3A_376 : vector<1024x1xi1> to vector<1024x1xi1>
    %ne3A_378 = arith.xori %lt3A_373, %ne3A_377 : vector<1024x1xi1>
    %and3A_379 = arith.andi %ne3A_378, %ne3A_370 : vector<1024x1xi1>
    %add3A_380 = vector.broadcast %select_n3A_365 : i32 to vector<1024x1xi32>
    %add3A_381 = arith.addi %rem3A_367, %add3A_380 : vector<1024x1xi32>
    %select_n3A_382 = arith.select %and3A_379, %add3A_381, %rem3A_367 : vector<1024x1xi1>, vector<1024x1xi32>
    %add3A_383 = arith.constant -1 : i32
    %add3A_384 = vector.broadcast %add3A_383 : i32 to vector<1024x1xi32>
    %add3A_385 = arith.addi %select_n3A_382, %add3A_384 : vector<1024x1xi32>
    %ge3A_386 = arith.constant 0 : i32
    %ge3A_387 = vector.broadcast %ge3A_386 : i32 to vector<1024x1xi32>
    %ge3A_388 = arith.cmpi sge, %add3A_385, %ge3A_387 : vector<1024x1xi32>
    %add3A_389 = arith.constant -1 : i32
    %add3A_390 = vector.broadcast %add3A_389 : i32 to vector<1024x1xi32>
    %add3A_391 = arith.addi %select_n3A_382, %add3A_390 : vector<1024x1xi32>
    %lt3A_392 = arith.constant 32 : i32
    %lt3A_393 = vector.broadcast %lt3A_392 : i32 to vector<1024x1xi32>
    %lt3A_394 = arith.cmpi slt, %add3A_391, %lt3A_393 : vector<1024x1xi32>
    %and3A_395 = arith.andi %ge3A_388, %lt3A_394 : vector<1024x1xi1>
    %jit3A_396 = arith.constant 0.000000e+00 : f32
    %broadcast_in_dim3A_397 = vector.shape_cast %and3A_395 : vector<1024x1xi1> to vector<1024x1xi1>
    %broadcast_in_dim3A_398 = vector.broadcast %broadcast_in_dim3A_397 : vector<1024x1xi1> to vector<1024x128xi1>
    %broadcast_in_dim3A_399 = vector.broadcast %jit3A_396 : f32 to vector<1024x128xf32>
    %select_n3A_400 = arith.select %broadcast_in_dim3A_398, %concatenate3A_359, %broadcast_in_dim3A_399 : vector<1024x128xi1>, vector<1024x128xf32>
    %get3A_401 = arith.constant 0 : index
    %get3A_402 = arith.constant 0 : index
    %get3A_403 = arith.constant 0 : index
    %get3A_404 = vector.load %arg2[%get3A_401, %get3A_402, %get3A_403] : memref<9x128x64xf32, #tpu.memory_space<vmem>>, vector<1x128x64xf32>
    %get3A_405 = vector.shape_cast %get3A_404 : vector<1x128x64xf32> to vector<128x64xf32>
    %dot_general3A_406 = arith.constant dense<0.000000e+00> : vector<1024x64xf32>
    %dot_general3A_407 = tpu.matmul %select_n3A_400, %get3A_405, %dot_general3A_406 {dimension_numbers = #tpu.dot_dimension_numbers<[1], [0], [0], [1], [0, 0, 1, 1], [], []>, transpose_lhs_hint = false} : vector<1024x128xf32>, vector<128x64xf32>, vector<1024x64xf32> -> vector<1024x64xf32>
    %add3A_408 = arith.addf %broadcast_in_dim3A_355, %dot_general3A_407 : vector<1024x64xf32>
    %broadcast_in_dim3A_409 = arith.constant 0.000000e+00 : f32
    %broadcast_in_dim3A_410 = vector.broadcast %broadcast_in_dim3A_409 : f32 to vector<32x128xf32>
    %slice3A_411 = vector.extract_strided_slice %max3A_353 {offsets = [0, 0], sizes = [992, 128], strides = [1, 1]} : vector<1024x128xf32> to vector<992x128xf32>
    %concatenate3A_412 = tpu.concatenate %broadcast_in_dim3A_410, %slice3A_411 in 0 : vector<32x128xf32>, vector<992x128xf32> -> vector<1024x128xf32>
    %get3A_413 = arith.constant 1 : index
    %get3A_414 = arith.constant 0 : index
    %get3A_415 = arith.constant 0 : index
    %get3A_416 = vector.load %arg2[%get3A_413, %get3A_414, %get3A_415] : memref<9x128x64xf32, #tpu.memory_space<vmem>>, vector<1x128x64xf32>
    %get3A_417 = vector.shape_cast %get3A_416 : vector<1x128x64xf32> to vector<128x64xf32>
    %dot_general3A_418 = arith.constant dense<0.000000e+00> : vector<1024x64xf32>
    %dot_general3A_419 = tpu.matmul %concatenate3A_412, %get3A_417, %dot_general3A_418 {dimension_numbers = #tpu.dot_dimension_numbers<[1], [0], [0], [1], [0, 0, 1, 1], [], []>, transpose_lhs_hint = false} : vector<1024x128xf32>, vector<128x64xf32>, vector<1024x64xf32> -> vector<1024x64xf32>
    %add3A_420 = arith.addf %add3A_408, %dot_general3A_419 : vector<1024x64xf32>
    %broadcast_in_dim3A_421 = arith.constant 0.000000e+00 : f32
    %broadcast_in_dim3A_422 = vector.broadcast %broadcast_in_dim3A_421 : f32 to vector<31x128xf32>
    %slice3A_423 = vector.extract_strided_slice %max3A_353 {offsets = [0, 0], sizes = [993, 128], strides = [1, 1]} : vector<1024x128xf32> to vector<993x128xf32>
    %concatenate3A_424 = tpu.concatenate %broadcast_in_dim3A_422, %slice3A_423 in 0 : vector<31x128xf32>, vector<993x128xf32> -> vector<1024x128xf32>
    %iota3A_425 = tpu.iota {dimensions = array<i32: 0>} : vector<1024x1xi32>
    %jit3A_426 = arith.constant 32 : i32
    %eq3A_427 = arith.constant 0 : i32
    %eq3A_428 = arith.cmpi eq, %jit3A_426, %eq3A_427 : i32
    %jit3A_429 = arith.constant 1 : i32
    %select_n3A_430 = arith.select %eq3A_428, %jit3A_429, %jit3A_426 : i32
    %rem3A_431 = vector.broadcast %select_n3A_430 : i32 to vector<1024x1xi32>
    %rem3A_432 = arith.remsi %iota3A_425, %rem3A_431 : vector<1024x1xi32>
    %ne3A_433 = arith.constant 0 : i32
    %ne3A_434 = vector.broadcast %ne3A_433 : i32 to vector<1024x1xi32>
    %ne3A_435 = arith.cmpi ne, %rem3A_432, %ne3A_434 : vector<1024x1xi32>
    %lt3A_436 = arith.constant 0 : i32
    %lt3A_437 = vector.broadcast %lt3A_436 : i32 to vector<1024x1xi32>
    %lt3A_438 = arith.cmpi slt, %rem3A_432, %lt3A_437 : vector<1024x1xi32>
    %lt3A_439 = arith.constant 0 : i32
    %lt3A_440 = arith.cmpi slt, %select_n3A_430, %lt3A_439 : i32
    %ne3A_441 = vector.broadcast %lt3A_440 : i1 to vector<1024x1xi1>
    %ne3A_442 = vector.broadcast %ne3A_441 : vector<1024x1xi1> to vector<1024x1xi1>
    %ne3A_443 = arith.xori %lt3A_438, %ne3A_442 : vector<1024x1xi1>
    %and3A_444 = arith.andi %ne3A_443, %ne3A_435 : vector<1024x1xi1>
    %add3A_445 = vector.broadcast %select_n3A_430 : i32 to vector<1024x1xi32>
    %add3A_446 = arith.addi %rem3A_432, %add3A_445 : vector<1024x1xi32>
    %select_n3A_447 = arith.select %and3A_444, %add3A_446, %rem3A_432 : vector<1024x1xi1>, vector<1024x1xi32>
    %add3A_448 = arith.constant 1 : i32
    %add3A_449 = vector.broadcast %add3A_448 : i32 to vector<1024x1xi32>
    %add3A_450 = arith.addi %select_n3A_447, %add3A_449 : vector<1024x1xi32>
    %ge3A_451 = arith.constant 0 : i32
    %ge3A_452 = vector.broadcast %ge3A_451 : i32 to vector<1024x1xi32>
    %ge3A_453 = arith.cmpi sge, %add3A_450, %ge3A_452 : vector<1024x1xi32>
    %add3A_454 = arith.constant 1 : i32
    %add3A_455 = vector.broadcast %add3A_454 : i32 to vector<1024x1xi32>
    %add3A_456 = arith.addi %select_n3A_447, %add3A_455 : vector<1024x1xi32>
    %lt3A_457 = arith.constant 32 : i32
    %lt3A_458 = vector.broadcast %lt3A_457 : i32 to vector<1024x1xi32>
    %lt3A_459 = arith.cmpi slt, %add3A_456, %lt3A_458 : vector<1024x1xi32>
    %and3A_460 = arith.andi %ge3A_453, %lt3A_459 : vector<1024x1xi1>
    %jit3A_461 = arith.constant 0.000000e+00 : f32
    %broadcast_in_dim3A_462 = vector.shape_cast %and3A_460 : vector<1024x1xi1> to vector<1024x1xi1>
    %broadcast_in_dim3A_463 = vector.broadcast %broadcast_in_dim3A_462 : vector<1024x1xi1> to vector<1024x128xi1>
    %broadcast_in_dim3A_464 = vector.broadcast %jit3A_461 : f32 to vector<1024x128xf32>
    %select_n3A_465 = arith.select %broadcast_in_dim3A_463, %concatenate3A_424, %broadcast_in_dim3A_464 : vector<1024x128xi1>, vector<1024x128xf32>
    %get3A_466 = arith.constant 2 : index
    %get3A_467 = arith.constant 0 : index
    %get3A_468 = arith.constant 0 : index
    %get3A_469 = vector.load %arg2[%get3A_466, %get3A_467, %get3A_468] : memref<9x128x64xf32, #tpu.memory_space<vmem>>, vector<1x128x64xf32>
    %get3A_470 = vector.shape_cast %get3A_469 : vector<1x128x64xf32> to vector<128x64xf32>
    %dot_general3A_471 = arith.constant dense<0.000000e+00> : vector<1024x64xf32>
    %dot_general3A_472 = tpu.matmul %select_n3A_465, %get3A_470, %dot_general3A_471 {dimension_numbers = #tpu.dot_dimension_numbers<[1], [0], [0], [1], [0, 0, 1, 1], [], []>, transpose_lhs_hint = false} : vector<1024x128xf32>, vector<128x64xf32>, vector<1024x64xf32> -> vector<1024x64xf32>
    %add3A_473 = arith.addf %add3A_420, %dot_general3A_472 : vector<1024x64xf32>
    %broadcast_in_dim3A_474 = arith.constant 0.000000e+00 : f32
    %broadcast_in_dim3A_475 = vector.broadcast %broadcast_in_dim3A_474 : f32 to vector<1x128xf32>
    %slice3A_476 = vector.extract_strided_slice %max3A_353 {offsets = [0, 0], sizes = [1023, 128], strides = [1, 1]} : vector<1024x128xf32> to vector<1023x128xf32>
    %concatenate3A_477 = tpu.concatenate %broadcast_in_dim3A_475, %slice3A_476 in 0 : vector<1x128xf32>, vector<1023x128xf32> -> vector<1024x128xf32>
    %iota3A_478 = tpu.iota {dimensions = array<i32: 0>} : vector<1024x1xi32>
    %jit3A_479 = arith.constant 32 : i32
    %eq3A_480 = arith.constant 0 : i32
    %eq3A_481 = arith.cmpi eq, %jit3A_479, %eq3A_480 : i32
    %jit3A_482 = arith.constant 1 : i32
    %select_n3A_483 = arith.select %eq3A_481, %jit3A_482, %jit3A_479 : i32
    %rem3A_484 = vector.broadcast %select_n3A_483 : i32 to vector<1024x1xi32>
    %rem3A_485 = arith.remsi %iota3A_478, %rem3A_484 : vector<1024x1xi32>
    %ne3A_486 = arith.constant 0 : i32
    %ne3A_487 = vector.broadcast %ne3A_486 : i32 to vector<1024x1xi32>
    %ne3A_488 = arith.cmpi ne, %rem3A_485, %ne3A_487 : vector<1024x1xi32>
    %lt3A_489 = arith.constant 0 : i32
    %lt3A_490 = vector.broadcast %lt3A_489 : i32 to vector<1024x1xi32>
    %lt3A_491 = arith.cmpi slt, %rem3A_485, %lt3A_490 : vector<1024x1xi32>
    %lt3A_492 = arith.constant 0 : i32
    %lt3A_493 = arith.cmpi slt, %select_n3A_483, %lt3A_492 : i32
    %ne3A_494 = vector.broadcast %lt3A_493 : i1 to vector<1024x1xi1>
    %ne3A_495 = vector.broadcast %ne3A_494 : vector<1024x1xi1> to vector<1024x1xi1>
    %ne3A_496 = arith.xori %lt3A_491, %ne3A_495 : vector<1024x1xi1>
    %and3A_497 = arith.andi %ne3A_496, %ne3A_488 : vector<1024x1xi1>
    %add3A_498 = vector.broadcast %select_n3A_483 : i32 to vector<1024x1xi32>
    %add3A_499 = arith.addi %rem3A_485, %add3A_498 : vector<1024x1xi32>
    %select_n3A_500 = arith.select %and3A_497, %add3A_499, %rem3A_485 : vector<1024x1xi1>, vector<1024x1xi32>
    %add3A_501 = arith.constant -1 : i32
    %add3A_502 = vector.broadcast %add3A_501 : i32 to vector<1024x1xi32>
    %add3A_503 = arith.addi %select_n3A_500, %add3A_502 : vector<1024x1xi32>
    %ge3A_504 = arith.constant 0 : i32
    %ge3A_505 = vector.broadcast %ge3A_504 : i32 to vector<1024x1xi32>
    %ge3A_506 = arith.cmpi sge, %add3A_503, %ge3A_505 : vector<1024x1xi32>
    %add3A_507 = arith.constant -1 : i32
    %add3A_508 = vector.broadcast %add3A_507 : i32 to vector<1024x1xi32>
    %add3A_509 = arith.addi %select_n3A_500, %add3A_508 : vector<1024x1xi32>
    %lt3A_510 = arith.constant 32 : i32
    %lt3A_511 = vector.broadcast %lt3A_510 : i32 to vector<1024x1xi32>
    %lt3A_512 = arith.cmpi slt, %add3A_509, %lt3A_511 : vector<1024x1xi32>
    %and3A_513 = arith.andi %ge3A_506, %lt3A_512 : vector<1024x1xi1>
    %jit3A_514 = arith.constant 0.000000e+00 : f32
    %broadcast_in_dim3A_515 = vector.shape_cast %and3A_513 : vector<1024x1xi1> to vector<1024x1xi1>
    %broadcast_in_dim3A_516 = vector.broadcast %broadcast_in_dim3A_515 : vector<1024x1xi1> to vector<1024x128xi1>
    %broadcast_in_dim3A_517 = vector.broadcast %jit3A_514 : f32 to vector<1024x128xf32>
    %select_n3A_518 = arith.select %broadcast_in_dim3A_516, %concatenate3A_477, %broadcast_in_dim3A_517 : vector<1024x128xi1>, vector<1024x128xf32>
    %get3A_519 = arith.constant 3 : index
    %get3A_520 = arith.constant 0 : index
    %get3A_521 = arith.constant 0 : index
    %get3A_522 = vector.load %arg2[%get3A_519, %get3A_520, %get3A_521] : memref<9x128x64xf32, #tpu.memory_space<vmem>>, vector<1x128x64xf32>
    %get3A_523 = vector.shape_cast %get3A_522 : vector<1x128x64xf32> to vector<128x64xf32>
    %dot_general3A_524 = arith.constant dense<0.000000e+00> : vector<1024x64xf32>
    %dot_general3A_525 = tpu.matmul %select_n3A_518, %get3A_523, %dot_general3A_524 {dimension_numbers = #tpu.dot_dimension_numbers<[1], [0], [0], [1], [0, 0, 1, 1], [], []>, transpose_lhs_hint = false} : vector<1024x128xf32>, vector<128x64xf32>, vector<1024x64xf32> -> vector<1024x64xf32>
    %add3A_526 = arith.addf %add3A_473, %dot_general3A_525 : vector<1024x64xf32>
    %get3A_527 = arith.constant 4 : index
    %get3A_528 = arith.constant 0 : index
    %get3A_529 = arith.constant 0 : index
    %get3A_530 = vector.load %arg2[%get3A_527, %get3A_528, %get3A_529] : memref<9x128x64xf32, #tpu.memory_space<vmem>>, vector<1x128x64xf32>
    %get3A_531 = vector.shape_cast %get3A_530 : vector<1x128x64xf32> to vector<128x64xf32>
    %dot_general3A_532 = arith.constant dense<0.000000e+00> : vector<1024x64xf32>
    %dot_general3A_533 = tpu.matmul %max3A_353, %get3A_531, %dot_general3A_532 {dimension_numbers = #tpu.dot_dimension_numbers<[1], [0], [0], [1], [0, 0, 1, 1], [], []>, transpose_lhs_hint = false} : vector<1024x128xf32>, vector<128x64xf32>, vector<1024x64xf32> -> vector<1024x64xf32>
    %add3A_534 = arith.addf %add3A_526, %dot_general3A_533 : vector<1024x64xf32>
    %slice3A_535 = vector.extract_strided_slice %max3A_353 {offsets = [1, 0], sizes = [1023, 128], strides = [1, 1]} : vector<1024x128xf32> to vector<1023x128xf32>
    %broadcast_in_dim3A_536 = arith.constant 0.000000e+00 : f32
    %broadcast_in_dim3A_537 = vector.broadcast %broadcast_in_dim3A_536 : f32 to vector<1x128xf32>
    %concatenate3A_538 = tpu.concatenate %slice3A_535, %broadcast_in_dim3A_537 in 0 : vector<1023x128xf32>, vector<1x128xf32> -> vector<1024x128xf32>
    %iota3A_539 = tpu.iota {dimensions = array<i32: 0>} : vector<1024x1xi32>
    %jit3A_540 = arith.constant 32 : i32
    %eq3A_541 = arith.constant 0 : i32
    %eq3A_542 = arith.cmpi eq, %jit3A_540, %eq3A_541 : i32
    %jit3A_543 = arith.constant 1 : i32
    %select_n3A_544 = arith.select %eq3A_542, %jit3A_543, %jit3A_540 : i32
    %rem3A_545 = vector.broadcast %select_n3A_544 : i32 to vector<1024x1xi32>
    %rem3A_546 = arith.remsi %iota3A_539, %rem3A_545 : vector<1024x1xi32>
    %ne3A_547 = arith.constant 0 : i32
    %ne3A_548 = vector.broadcast %ne3A_547 : i32 to vector<1024x1xi32>
    %ne3A_549 = arith.cmpi ne, %rem3A_546, %ne3A_548 : vector<1024x1xi32>
    %lt3A_550 = arith.constant 0 : i32
    %lt3A_551 = vector.broadcast %lt3A_550 : i32 to vector<1024x1xi32>
    %lt3A_552 = arith.cmpi slt, %rem3A_546, %lt3A_551 : vector<1024x1xi32>
    %lt3A_553 = arith.constant 0 : i32
    %lt3A_554 = arith.cmpi slt, %select_n3A_544, %lt3A_553 : i32
    %ne3A_555 = vector.broadcast %lt3A_554 : i1 to vector<1024x1xi1>
    %ne3A_556 = vector.broadcast %ne3A_555 : vector<1024x1xi1> to vector<1024x1xi1>
    %ne3A_557 = arith.xori %lt3A_552, %ne3A_556 : vector<1024x1xi1>
    %and3A_558 = arith.andi %ne3A_557, %ne3A_549 : vector<1024x1xi1>
    %add3A_559 = vector.broadcast %select_n3A_544 : i32 to vector<1024x1xi32>
    %add3A_560 = arith.addi %rem3A_546, %add3A_559 : vector<1024x1xi32>
    %select_n3A_561 = arith.select %and3A_558, %add3A_560, %rem3A_546 : vector<1024x1xi1>, vector<1024x1xi32>
    %add3A_562 = arith.constant 1 : i32
    %add3A_563 = vector.broadcast %add3A_562 : i32 to vector<1024x1xi32>
    %add3A_564 = arith.addi %select_n3A_561, %add3A_563 : vector<1024x1xi32>
    %ge3A_565 = arith.constant 0 : i32
    %ge3A_566 = vector.broadcast %ge3A_565 : i32 to vector<1024x1xi32>
    %ge3A_567 = arith.cmpi sge, %add3A_564, %ge3A_566 : vector<1024x1xi32>
    %add3A_568 = arith.constant 1 : i32
    %add3A_569 = vector.broadcast %add3A_568 : i32 to vector<1024x1xi32>
    %add3A_570 = arith.addi %select_n3A_561, %add3A_569 : vector<1024x1xi32>
    %lt3A_571 = arith.constant 32 : i32
    %lt3A_572 = vector.broadcast %lt3A_571 : i32 to vector<1024x1xi32>
    %lt3A_573 = arith.cmpi slt, %add3A_570, %lt3A_572 : vector<1024x1xi32>
    %and3A_574 = arith.andi %ge3A_567, %lt3A_573 : vector<1024x1xi1>
    %jit3A_575 = arith.constant 0.000000e+00 : f32
    %broadcast_in_dim3A_576 = vector.shape_cast %and3A_574 : vector<1024x1xi1> to vector<1024x1xi1>
    %broadcast_in_dim3A_577 = vector.broadcast %broadcast_in_dim3A_576 : vector<1024x1xi1> to vector<1024x128xi1>
    %broadcast_in_dim3A_578 = vector.broadcast %jit3A_575 : f32 to vector<1024x128xf32>
    %select_n3A_579 = arith.select %broadcast_in_dim3A_577, %concatenate3A_538, %broadcast_in_dim3A_578 : vector<1024x128xi1>, vector<1024x128xf32>
    %get3A_580 = arith.constant 5 : index
    %get3A_581 = arith.constant 0 : index
    %get3A_582 = arith.constant 0 : index
    %get3A_583 = vector.load %arg2[%get3A_580, %get3A_581, %get3A_582] : memref<9x128x64xf32, #tpu.memory_space<vmem>>, vector<1x128x64xf32>
    %get3A_584 = vector.shape_cast %get3A_583 : vector<1x128x64xf32> to vector<128x64xf32>
    %dot_general3A_585 = arith.constant dense<0.000000e+00> : vector<1024x64xf32>
    %dot_general3A_586 = tpu.matmul %select_n3A_579, %get3A_584, %dot_general3A_585 {dimension_numbers = #tpu.dot_dimension_numbers<[1], [0], [0], [1], [0, 0, 1, 1], [], []>, transpose_lhs_hint = false} : vector<1024x128xf32>, vector<128x64xf32>, vector<1024x64xf32> -> vector<1024x64xf32>
    %add3A_587 = arith.addf %add3A_534, %dot_general3A_586 : vector<1024x64xf32>
    %slice3A_588 = vector.extract_strided_slice %max3A_353 {offsets = [31, 0], sizes = [993, 128], strides = [1, 1]} : vector<1024x128xf32> to vector<993x128xf32>
    %broadcast_in_dim3A_589 = arith.constant 0.000000e+00 : f32
    %broadcast_in_dim3A_590 = vector.broadcast %broadcast_in_dim3A_589 : f32 to vector<31x128xf32>
    %concatenate3A_591 = tpu.concatenate %slice3A_588, %broadcast_in_dim3A_590 in 0 : vector<993x128xf32>, vector<31x128xf32> -> vector<1024x128xf32>
    %iota3A_592 = tpu.iota {dimensions = array<i32: 0>} : vector<1024x1xi32>
    %jit3A_593 = arith.constant 32 : i32
    %eq3A_594 = arith.constant 0 : i32
    %eq3A_595 = arith.cmpi eq, %jit3A_593, %eq3A_594 : i32
    %jit3A_596 = arith.constant 1 : i32
    %select_n3A_597 = arith.select %eq3A_595, %jit3A_596, %jit3A_593 : i32
    %rem3A_598 = vector.broadcast %select_n3A_597 : i32 to vector<1024x1xi32>
    %rem3A_599 = arith.remsi %iota3A_592, %rem3A_598 : vector<1024x1xi32>
    %ne3A_600 = arith.constant 0 : i32
    %ne3A_601 = vector.broadcast %ne3A_600 : i32 to vector<1024x1xi32>
    %ne3A_602 = arith.cmpi ne, %rem3A_599, %ne3A_601 : vector<1024x1xi32>
    %lt3A_603 = arith.constant 0 : i32
    %lt3A_604 = vector.broadcast %lt3A_603 : i32 to vector<1024x1xi32>
    %lt3A_605 = arith.cmpi slt, %rem3A_599, %lt3A_604 : vector<1024x1xi32>
    %lt3A_606 = arith.constant 0 : i32
    %lt3A_607 = arith.cmpi slt, %select_n3A_597, %lt3A_606 : i32
    %ne3A_608 = vector.broadcast %lt3A_607 : i1 to vector<1024x1xi1>
    %ne3A_609 = vector.broadcast %ne3A_608 : vector<1024x1xi1> to vector<1024x1xi1>
    %ne3A_610 = arith.xori %lt3A_605, %ne3A_609 : vector<1024x1xi1>
    %and3A_611 = arith.andi %ne3A_610, %ne3A_602 : vector<1024x1xi1>
    %add3A_612 = vector.broadcast %select_n3A_597 : i32 to vector<1024x1xi32>
    %add3A_613 = arith.addi %rem3A_599, %add3A_612 : vector<1024x1xi32>
    %select_n3A_614 = arith.select %and3A_611, %add3A_613, %rem3A_599 : vector<1024x1xi1>, vector<1024x1xi32>
    %add3A_615 = arith.constant -1 : i32
    %add3A_616 = vector.broadcast %add3A_615 : i32 to vector<1024x1xi32>
    %add3A_617 = arith.addi %select_n3A_614, %add3A_616 : vector<1024x1xi32>
    %ge3A_618 = arith.constant 0 : i32
    %ge3A_619 = vector.broadcast %ge3A_618 : i32 to vector<1024x1xi32>
    %ge3A_620 = arith.cmpi sge, %add3A_617, %ge3A_619 : vector<1024x1xi32>
    %add3A_621 = arith.constant -1 : i32
    %add3A_622 = vector.broadcast %add3A_621 : i32 to vector<1024x1xi32>
    %add3A_623 = arith.addi %select_n3A_614, %add3A_622 : vector<1024x1xi32>
    %lt3A_624 = arith.constant 32 : i32
    %lt3A_625 = vector.broadcast %lt3A_624 : i32 to vector<1024x1xi32>
    %lt3A_626 = arith.cmpi slt, %add3A_623, %lt3A_625 : vector<1024x1xi32>
    %and3A_627 = arith.andi %ge3A_620, %lt3A_626 : vector<1024x1xi1>
    %jit3A_628 = arith.constant 0.000000e+00 : f32
    %broadcast_in_dim3A_629 = vector.shape_cast %and3A_627 : vector<1024x1xi1> to vector<1024x1xi1>
    %broadcast_in_dim3A_630 = vector.broadcast %broadcast_in_dim3A_629 : vector<1024x1xi1> to vector<1024x128xi1>
    %broadcast_in_dim3A_631 = vector.broadcast %jit3A_628 : f32 to vector<1024x128xf32>
    %select_n3A_632 = arith.select %broadcast_in_dim3A_630, %concatenate3A_591, %broadcast_in_dim3A_631 : vector<1024x128xi1>, vector<1024x128xf32>
    %get3A_633 = arith.constant 6 : index
    %get3A_634 = arith.constant 0 : index
    %get3A_635 = arith.constant 0 : index
    %get3A_636 = vector.load %arg2[%get3A_633, %get3A_634, %get3A_635] : memref<9x128x64xf32, #tpu.memory_space<vmem>>, vector<1x128x64xf32>
    %get3A_637 = vector.shape_cast %get3A_636 : vector<1x128x64xf32> to vector<128x64xf32>
    %dot_general3A_638 = arith.constant dense<0.000000e+00> : vector<1024x64xf32>
    %dot_general3A_639 = tpu.matmul %select_n3A_632, %get3A_637, %dot_general3A_638 {dimension_numbers = #tpu.dot_dimension_numbers<[1], [0], [0], [1], [0, 0, 1, 1], [], []>, transpose_lhs_hint = false} : vector<1024x128xf32>, vector<128x64xf32>, vector<1024x64xf32> -> vector<1024x64xf32>
    %add3A_640 = arith.addf %add3A_587, %dot_general3A_639 : vector<1024x64xf32>
    %slice3A_641 = vector.extract_strided_slice %max3A_353 {offsets = [32, 0], sizes = [992, 128], strides = [1, 1]} : vector<1024x128xf32> to vector<992x128xf32>
    %broadcast_in_dim3A_642 = arith.constant 0.000000e+00 : f32
    %broadcast_in_dim3A_643 = vector.broadcast %broadcast_in_dim3A_642 : f32 to vector<32x128xf32>
    %concatenate3A_644 = tpu.concatenate %slice3A_641, %broadcast_in_dim3A_643 in 0 : vector<992x128xf32>, vector<32x128xf32> -> vector<1024x128xf32>
    %get3A_645 = arith.constant 7 : index
    %get3A_646 = arith.constant 0 : index
    %get3A_647 = arith.constant 0 : index
    %get3A_648 = vector.load %arg2[%get3A_645, %get3A_646, %get3A_647] : memref<9x128x64xf32, #tpu.memory_space<vmem>>, vector<1x128x64xf32>
    %get3A_649 = vector.shape_cast %get3A_648 : vector<1x128x64xf32> to vector<128x64xf32>
    %dot_general3A_650 = arith.constant dense<0.000000e+00> : vector<1024x64xf32>
    %dot_general3A_651 = tpu.matmul %concatenate3A_644, %get3A_649, %dot_general3A_650 {dimension_numbers = #tpu.dot_dimension_numbers<[1], [0], [0], [1], [0, 0, 1, 1], [], []>, transpose_lhs_hint = false} : vector<1024x128xf32>, vector<128x64xf32>, vector<1024x64xf32> -> vector<1024x64xf32>
    %add3A_652 = arith.addf %add3A_640, %dot_general3A_651 : vector<1024x64xf32>
    %slice3A_653 = vector.extract_strided_slice %max3A_353 {offsets = [33, 0], sizes = [991, 128], strides = [1, 1]} : vector<1024x128xf32> to vector<991x128xf32>
    %broadcast_in_dim3A_654 = arith.constant 0.000000e+00 : f32
    %broadcast_in_dim3A_655 = vector.broadcast %broadcast_in_dim3A_654 : f32 to vector<33x128xf32>
    %concatenate3A_656 = tpu.concatenate %slice3A_653, %broadcast_in_dim3A_655 in 0 : vector<991x128xf32>, vector<33x128xf32> -> vector<1024x128xf32>
    %iota3A_657 = tpu.iota {dimensions = array<i32: 0>} : vector<1024x1xi32>
    %jit3A_658 = arith.constant 32 : i32
    %eq3A_659 = arith.constant 0 : i32
    %eq3A_660 = arith.cmpi eq, %jit3A_658, %eq3A_659 : i32
    %jit3A_661 = arith.constant 1 : i32
    %select_n3A_662 = arith.select %eq3A_660, %jit3A_661, %jit3A_658 : i32
    %rem3A_663 = vector.broadcast %select_n3A_662 : i32 to vector<1024x1xi32>
    %rem3A_664 = arith.remsi %iota3A_657, %rem3A_663 : vector<1024x1xi32>
    %ne3A_665 = arith.constant 0 : i32
    %ne3A_666 = vector.broadcast %ne3A_665 : i32 to vector<1024x1xi32>
    %ne3A_667 = arith.cmpi ne, %rem3A_664, %ne3A_666 : vector<1024x1xi32>
    %lt3A_668 = arith.constant 0 : i32
    %lt3A_669 = vector.broadcast %lt3A_668 : i32 to vector<1024x1xi32>
    %lt3A_670 = arith.cmpi slt, %rem3A_664, %lt3A_669 : vector<1024x1xi32>
    %lt3A_671 = arith.constant 0 : i32
    %lt3A_672 = arith.cmpi slt, %select_n3A_662, %lt3A_671 : i32
    %ne3A_673 = vector.broadcast %lt3A_672 : i1 to vector<1024x1xi1>
    %ne3A_674 = vector.broadcast %ne3A_673 : vector<1024x1xi1> to vector<1024x1xi1>
    %ne3A_675 = arith.xori %lt3A_670, %ne3A_674 : vector<1024x1xi1>
    %and3A_676 = arith.andi %ne3A_675, %ne3A_667 : vector<1024x1xi1>
    %add3A_677 = vector.broadcast %select_n3A_662 : i32 to vector<1024x1xi32>
    %add3A_678 = arith.addi %rem3A_664, %add3A_677 : vector<1024x1xi32>
    %select_n3A_679 = arith.select %and3A_676, %add3A_678, %rem3A_664 : vector<1024x1xi1>, vector<1024x1xi32>
    %add3A_680 = arith.constant 1 : i32
    %add3A_681 = vector.broadcast %add3A_680 : i32 to vector<1024x1xi32>
    %add3A_682 = arith.addi %select_n3A_679, %add3A_681 : vector<1024x1xi32>
    %ge3A_683 = arith.constant 0 : i32
    %ge3A_684 = vector.broadcast %ge3A_683 : i32 to vector<1024x1xi32>
    %ge3A_685 = arith.cmpi sge, %add3A_682, %ge3A_684 : vector<1024x1xi32>
    %add3A_686 = arith.constant 1 : i32
    %add3A_687 = vector.broadcast %add3A_686 : i32 to vector<1024x1xi32>
    %add3A_688 = arith.addi %select_n3A_679, %add3A_687 : vector<1024x1xi32>
    %lt3A_689 = arith.constant 32 : i32
    %lt3A_690 = vector.broadcast %lt3A_689 : i32 to vector<1024x1xi32>
    %lt3A_691 = arith.cmpi slt, %add3A_688, %lt3A_690 : vector<1024x1xi32>
    %and3A_692 = arith.andi %ge3A_685, %lt3A_691 : vector<1024x1xi1>
    %jit3A_693 = arith.constant 0.000000e+00 : f32
    %broadcast_in_dim3A_694 = vector.shape_cast %and3A_692 : vector<1024x1xi1> to vector<1024x1xi1>
    %broadcast_in_dim3A_695 = vector.broadcast %broadcast_in_dim3A_694 : vector<1024x1xi1> to vector<1024x128xi1>
    %broadcast_in_dim3A_696 = vector.broadcast %jit3A_693 : f32 to vector<1024x128xf32>
    %select_n3A_697 = arith.select %broadcast_in_dim3A_695, %concatenate3A_656, %broadcast_in_dim3A_696 : vector<1024x128xi1>, vector<1024x128xf32>
    %get3A_698 = arith.constant 8 : index
    %get3A_699 = arith.constant 0 : index
    %get3A_700 = arith.constant 0 : index
    %get3A_701 = vector.load %arg2[%get3A_698, %get3A_699, %get3A_700] : memref<9x128x64xf32, #tpu.memory_space<vmem>>, vector<1x128x64xf32>
    %get3A_702 = vector.shape_cast %get3A_701 : vector<1x128x64xf32> to vector<128x64xf32>
    %dot_general3A_703 = arith.constant dense<0.000000e+00> : vector<1024x64xf32>
    %dot_general3A_704 = tpu.matmul %select_n3A_697, %get3A_702, %dot_general3A_703 {dimension_numbers = #tpu.dot_dimension_numbers<[1], [0], [0], [1], [0, 0, 1, 1], [], []>, transpose_lhs_hint = false} : vector<1024x128xf32>, vector<128x64xf32>, vector<1024x64xf32> -> vector<1024x64xf32>
    %add3A_705 = arith.addf %add3A_652, %dot_general3A_704 : vector<1024x64xf32>
    %max3A_706 = arith.constant 0.000000e+00 : f32
    %max3A_707 = vector.broadcast %max3A_706 : f32 to vector<1024x64xf32>
    %max3A_708 = arith.maximumf %add3A_705, %max3A_707 : vector<1024x64xf32>
    %get3A_709 = arith.constant 0 : index
    %get3A_710 = arith.constant 0 : index
    %get3A_711 = vector.load %arg3[%get3A_709, %get3A_710] : memref<64x128xf32, #tpu.memory_space<vmem>>, vector<64x128xf32>
    %dot_general3A_712 = arith.constant dense<0.000000e+00> : vector<1024x128xf32>
    %dot_general3A_713 = tpu.matmul %max3A_708, %get3A_711, %dot_general3A_712 {dimension_numbers = #tpu.dot_dimension_numbers<[1], [0], [0], [1], [0, 0, 1, 1], [], []>, transpose_lhs_hint = false} : vector<1024x64xf32>, vector<64x128xf32>, vector<1024x128xf32> -> vector<1024x128xf32>
    %add3A_714 = arith.addf %add3A_350, %dot_general3A_713 : vector<1024x128xf32>
    %max3A_715 = arith.constant 0.000000e+00 : f32
    %max3A_716 = vector.broadcast %max3A_715 : f32 to vector<1024x128xf32>
    %max3A_717 = arith.maximumf %add3A_714, %max3A_716 : vector<1024x128xf32>
    %get3A_718 = arith.constant 0 : index
    %get3A_719 = arith.constant 0 : index
    %get3A_720 = vector.load %arg4[%get3A_718, %get3A_719] : memref<128x64xf32, #tpu.memory_space<vmem>>, vector<128x64xf32>
    %dot_general3A_721 = arith.constant dense<0.000000e+00> : vector<1024x64xf32>
    %dot_general3A_722 = tpu.matmul %max3A_717, %get3A_720, %dot_general3A_721 {dimension_numbers = #tpu.dot_dimension_numbers<[1], [0], [0], [1], [0, 0, 1, 1], [], []>, transpose_lhs_hint = false} : vector<1024x128xf32>, vector<128x64xf32>, vector<1024x64xf32> -> vector<1024x64xf32>
    %get3A_723 = arith.constant 0 : index
    %get3A_724 = arith.constant 0 : index
    %get3A_725 = vector.load %arg5[%get3A_723, %get3A_724] : memref<1x64xf32, #tpu.memory_space<vmem>>, vector<1x64xf32>
    %add3A_726 = vector.broadcast %get3A_725 : vector<1x64xf32> to vector<1024x64xf32>
    %add3A_727 = arith.addf %dot_general3A_722, %add3A_726 : vector<1024x64xf32>
    %get3A_728 = arith.constant 0 : index
    %get3A_729 = arith.constant 0 : index
    %get3A_730 = vector.load %arg7[%get3A_728, %get3A_729] : memref<1x1024xf32, #tpu.memory_space<vmem>>, vector<1x1024xf32>
    %get3A_731 = arith.constant 0 : index
    %get3A_732 = arith.constant 0 : index
    %get3A_733 = vector.load %arg6[%get3A_731, %get3A_732] : memref<64x1024xf32, #tpu.memory_space<vmem>>, vector<64x1024xf32>
    %dot_general3A_734 = arith.constant dense<0.000000e+00> : vector<1024x1024xf32>
    %dot_general3A_735 = tpu.matmul %add3A_727, %get3A_733, %dot_general3A_734 {dimension_numbers = #tpu.dot_dimension_numbers<[1], [0], [0], [1], [0, 0, 1, 1], [], []>, transpose_lhs_hint = false} : vector<1024x64xf32>, vector<64x1024xf32>, vector<1024x1024xf32> -> vector<1024x1024xf32>
    %mul3A = arith.constant 2.000000e+00 : f32
    %mul3A_736 = vector.broadcast %mul3A : f32 to vector<1024x1024xf32>
    %mul3A_737 = arith.mulf %mul3A_736, %dot_general3A_735 : vector<1024x1024xf32>
    %sub3A = vector.broadcast %get3A_730 : vector<1x1024xf32> to vector<1024x1024xf32>
    %sub3A_738 = arith.subf %sub3A, %mul3A_737 : vector<1024x1024xf32>
    %reduce_min3A = arith.constant dense<0x7F800000> : vector<1024xf32>
    %reduce_min3A_739 = vector.multi_reduction <minimumf>, %sub3A_738, %reduce_min3A [1] : vector<1024x1024xf32> to vector<1024xf32>
    %broadcast_in_dim3A_740 = vector.shape_cast %reduce_min3A_739 : vector<1024xf32> to vector<1024x1xf32>
    %iota3A_741 = tpu.iota {dimensions = array<i32: 1>} : vector<1024x1024xi32>
    %le3A = vector.broadcast %broadcast_in_dim3A_740 : vector<1024x1xf32> to vector<1024x1024xf32>
    %le3A_742 = arith.cmpf ole, %sub3A_738, %le3A : vector<1024x1024xf32>
    %jit3A_743 = arith.constant 1024 : i32
    %broadcast_in_dim3A_744 = vector.broadcast %jit3A_743 : i32 to vector<1024x1024xi32>
    %select_n3A_745 = arith.select %le3A_742, %iota3A_741, %broadcast_in_dim3A_744 : vector<1024x1024xi1>, vector<1024x1024xi32>
    %reduce_min3A_746 = arith.constant dense<2147483647> : vector<1024xi32>
    %reduce_min3A_747 = vector.multi_reduction <minsi>, %select_n3A_745, %reduce_min3A_746 [1] : vector<1024x1024xi32> to vector<1024xi32>
    %broadcast_in_dim3A_748 = vector.shape_cast %reduce_min3A_747 : vector<1024xi32> to vector<1024x1xi32>
    %eq3A_749 = vector.broadcast %broadcast_in_dim3A_748 : vector<1024x1xi32> to vector<1024x1024xi32>
    %eq3A_750 = arith.cmpi eq, %iota3A_741, %eq3A_749 : vector<1024x1024xi32>
    %convert_element_type3A = arith.extui %eq3A_750 : vector<1024x1024xi1> to vector<1024x1024xi32>
    %convert_element_type3A_751 = arith.sitofp %convert_element_type3A : vector<1024x1024xi32> to vector<1024x1024xf32>
    %broadcast_in_dim3A_752 = vector.shape_cast %broadcast_in_dim3A_748 : vector<1024x1xi32> to vector<1x1024x1xi32>
    %swap3A = arith.constant 0 : index
    %swap3A_753 = arith.constant 0 : index
    %swap3A_754 = arith.constant 0 : index
    %swap3A_755 = vector.load %arg9[%swap3A, %swap3A_753, %swap3A_754] : memref<1x1024x1xi32, #tpu.memory_space<vmem>>, vector<1x1024x1xi32>
    tpu.vector_store %arg9[%swap3A, %swap3A_753, %swap3A_754], %broadcast_in_dim3A_752 {strides = array<i32>} : memref<1x1024x1xi32, #tpu.memory_space<vmem>>, vector<1x1024x1xi32>,
    %swap3A_756 = arith.constant 0 : index
    %swap3A_757 = arith.constant 0 : index
    %swap3A_758 = vector.load %arg8[%swap3A_756, %swap3A_757] : memref<1024x64xf32, #tpu.memory_space<vmem>>, vector<1024x64xf32>
    tpu.vector_store %arg8[%swap3A_756, %swap3A_757], %add3A_727 {strides = array<i32>} : memref<1024x64xf32, #tpu.memory_space<vmem>>, vector<1024x64xf32>,
    %eq3A_759 = arith.constant 0 : i32
    %eq3A_760 = arith.cmpi eq, %arg0, %eq3A_759 : i32
    %convert_element_type3A_761 = arith.extui %eq3A_760 : i1 to i32
    %cond3A = arith.constant 0 : i32
    %cond3A_762 = arith.cmpi ne, %convert_element_type3A_761, %cond3A : i32
    scf.if %cond3A_762 {
      %broadcast_in_dim3A_777 = arith.constant 0.000000e+00 : f32
      %broadcast_in_dim3A_778 = vector.broadcast %broadcast_in_dim3A_777 : f32 to vector<1x1024xf32>
      %swap3A_779 = arith.constant 0 : index
      %swap3A_780 = arith.constant 0 : index
      %swap3A_781 = vector.load %arg11[%swap3A_779, %swap3A_780] : memref<1x1024xf32, #tpu.memory_space<vmem>>, vector<1x1024xf32>
      tpu.vector_store %arg11[%swap3A_779, %swap3A_780], %broadcast_in_dim3A_778 {strides = array<i32>} : memref<1x1024xf32, #tpu.memory_space<vmem>>, vector<1x1024xf32>,
    } else {
    }
    %get3A_763 = arith.constant 0 : index
    %get3A_764 = arith.constant 0 : index
    %get3A_765 = vector.load %arg11[%get3A_763, %get3A_764] : memref<1x1024xf32, #tpu.memory_space<vmem>>, vector<1x1024xf32>
    %reduce_sum3A = arith.constant dense<0.000000e+00> : vector<1024xf32>
    %reduce_sum3A_766 = vector.multi_reduction <add>, %convert_element_type3A_751, %reduce_sum3A [0] : vector<1024x1024xf32> to vector<1024xf32>
    %broadcast_in_dim3A_767 = vector.shape_cast %reduce_sum3A_766 : vector<1024xf32> to vector<1x1024xf32>
    %add3A_768 = arith.addf %get3A_765, %broadcast_in_dim3A_767 : vector<1x1024xf32>
    %swap3A_769 = arith.constant 0 : index
    %swap3A_770 = arith.constant 0 : index
    %swap3A_771 = vector.load %arg11[%swap3A_769, %swap3A_770] : memref<1x1024xf32, #tpu.memory_space<vmem>>, vector<1x1024xf32>
    tpu.vector_store %arg11[%swap3A_769, %swap3A_770], %add3A_768 {strides = array<i32>} : memref<1x1024xf32, #tpu.memory_space<vmem>>, vector<1x1024xf32>,
    %eq3A_772 = arith.constant 7 : i32
    %eq3A_773 = arith.cmpi eq, %arg0, %eq3A_772 : i32
    %convert_element_type3A_774 = arith.extui %eq3A_773 : i1 to i32
    %cond3A_775 = arith.constant 0 : i32
    %cond3A_776 = arith.cmpi ne, %convert_element_type3A_774, %cond3A_775 : i32
    scf.if %cond3A_776 {
      %get3A_777 = arith.constant 0 : index
      %get3A_778 = arith.constant 0 : index
      %get3A_779 = vector.load %arg11[%get3A_777, %get3A_778] : memref<1x1024xf32, #tpu.memory_space<vmem>>, vector<1x1024xf32>
      %div3A = arith.constant 8.192000e+03 : f32
      %div3A_780 = vector.broadcast %div3A : f32 to vector<1x1024xf32>
      %div3A_781 = arith.divf %get3A_779, %div3A_780 : vector<1x1024xf32>
      %add3A_782 = arith.constant 1.000000e-10 : f32
      %add3A_783 = vector.broadcast %add3A_782 : f32 to vector<1x1024xf32>
      %add3A_784 = arith.addf %div3A_781, %add3A_783 : vector<1x1024xf32>
      %log3A = math.log %add3A_784 : vector<1x1024xf32>
      %mul3A_785 = arith.mulf %div3A_781, %log3A : vector<1x1024xf32>
      %reduce_sum3A_786 = vector.shape_cast %mul3A_785 : vector<1x1024xf32> to vector<1x1x1024xf32>
      %reduce_sum3A_787 = arith.constant dense<0.000000e+00> : vector<1xf32>
      %reduce_sum3A_788 = vector.multi_reduction <add>, %reduce_sum3A_786, %reduce_sum3A_787 [1, 2] : vector<1x1x1024xf32> to vector<1xf32>
      %reduce_sum3A_789 = vector.shape_cast %reduce_sum3A_788 : vector<1xf32> to vector<1x1x1xf32>
      %reduce_sum3A_790 = vector.extract %reduce_sum3A_789[0, 0, 0] : f32 from vector<1x1x1xf32>
      %neg3A = arith.constant 0.000000e+00 : f32
      %neg3A_791 = arith.subf %neg3A, %reduce_sum3A_790 : f32
      %exp3A = math.exp %neg3A_791 : f32
      %broadcast_in_dim3A_792 = vector.broadcast %exp3A : f32 to vector<1x1xf32>
      %swap3A_793 = arith.constant 0 : index
      %swap3A_794 = arith.constant 0 : index
      %swap3A_795 = vector.load %arg10[%swap3A_793, %swap3A_794] : memref<1x1xf32, #tpu.memory_space<vmem>>, vector<1x1xf32>
      tpu.vector_store %arg10[%swap3A_793, %swap3A_794], %broadcast_in_dim3A_792 {strides = array<i32>} : memref<1x1xf32, #tpu.memory_space<vmem>>, vector<1x1xf32>,
    } else {
    }
    return
  }
  func.func @transform_0(%arg0: i32) -> (i32, i32) {
    %c0_i32 = arith.constant 0 : i32
    %c0_i32_0 = arith.constant 0 : i32
    return %arg0, %c0_i32 : i32, i32
  }
  func.func @transform_1(%arg0: i32) -> (i32, i32, i32) {
    %c0_i32 = arith.constant 0 : i32
    %c0_i32_0 = arith.constant 0 : i32
    %c0_i32_1 = arith.constant 0 : i32
    %c0_i32_2 = arith.constant 0 : i32
    return %c0_i32, %c0_i32_0, %c0_i32_1 : i32, i32, i32
  }
  func.func @transform_2(%arg0: i32) -> (i32, i32) {
    %c0_i32 = arith.constant 0 : i32
    %c0_i32_0 = arith.constant 0 : i32
    %c0_i32_1 = arith.constant 0 : i32
    return %c0_i32, %c0_i32_0 : i32, i32
  }
  func.func @transform_3(%arg0: i32) -> (i32, i32) {
    %c0_i32 = arith.constant 0 : i32
    %c0_i32_0 = arith.constant 0 : i32
    %c0_i32_1 = arith.constant 0 : i32
    return %c0_i32, %c0_i32_0 : i32, i32
  }
  func.func @transform_4(%arg0: i32) -> (i32, i32) {
    %c0_i32 = arith.constant 0 : i32
    %c0_i32_0 = arith.constant 0 : i32
    %c0_i32_1 = arith.constant 0 : i32
    return %c0_i32, %c0_i32_0 : i32, i32
  }
  func.func @transform_5(%arg0: i32) -> (i32, i32) {
    %c0_i32 = arith.constant 0 : i32
    %c0_i32_0 = arith.constant 0 : i32
    %c0_i32_1 = arith.constant 0 : i32
    return %c0_i32, %c0_i32_0 : i32, i32
  }
  func.func @transform_6(%arg0: i32) -> (i32, i32) {
    %c0_i32 = arith.constant 0 : i32
    %c0_i32_0 = arith.constant 0 : i32
    %c0_i32_1 = arith.constant 0 : i32
    return %c0_i32, %c0_i32_0 : i32, i32
  }
  func.func @transform_7(%arg0: i32) -> (i32, i32) {
    %c0_i32 = arith.constant 0 : i32
    %c0_i32_0 = arith.constant 0 : i32
    return %arg0, %c0_i32 : i32, i32
  }
  func.func @transform_8(%arg0: i32) -> (i32, i32, i32) {
    %c0_i32 = arith.constant 0 : i32
    %c0_i32_0 = arith.constant 0 : i32
    %c0_i32_1 = arith.constant 0 : i32
    return %arg0, %c0_i32, %c0_i32_0 : i32, i32, i32
  }
  func.func @transform_9(%arg0: i32) -> (i32, i32) {
    %c0_i32 = arith.constant 0 : i32
    %c0_i32_0 = arith.constant 0 : i32
    %c0_i32_1 = arith.constant 0 : i32
    return %c0_i32, %c0_i32_0 : i32, i32
  }
}

module attributes {stable_mosaic.version = 14 : i64} {
  func.func @_k3_body(%arg0: i32, %arg1: memref<1024x128xf32, #tpu.memory_space<vmem>>, %arg2: memref<1024x64xf32, #tpu.memory_space<vmem>>, %arg3: memref<1x64x1024xf32, #tpu.memory_space<vmem>>, %arg4: memref<1x1xf32, #tpu.memory_space<vmem>>, %arg5: memref<1x1xf32, #tpu.memory_space<smem>>) attributes {dimension_semantics = [#tpu.dimension_semantics<arbitrary>], iteration_bounds = array<i64: 8>, scalar_prefetch = 0 : i64, scratch_operands = 1 : i64, tpu.core_type = #tpu.core_type<tc>, window_params = [{transform_indices = @transform_0, window_bounds = array<i64: 1024, 128>}, {transform_indices = @transform_1, window_bounds = array<i64: 1024, 64>}, {transform_indices = @transform_2, window_bounds = array<i64: 1, 64, 1024>}, {pipeline_mode = #tpu.pipeline_mode<synchronous>, transform_indices = @transform_3, window_bounds = array<i64: 1, 1>}]} {
    %get3A = arith.constant 0 : index
    %get3A_0 = arith.constant 0 : index
    %get3A_1 = vector.load %arg1[%get3A, %get3A_0] : memref<1024x128xf32, #tpu.memory_space<vmem>>, vector<1024x64xf32>
    %transpose3A = tpu.transpose %get3A_1, [1, 0] : vector<1024x64xf32> -> vector<64x1024xf32>
    %broadcast_in_dim3A = vector.shape_cast %transpose3A : vector<64x1024xf32> to vector<1x64x1024xf32>
    %swap3A = arith.constant 0 : index
    %swap3A_2 = arith.constant 0 : index
    %swap3A_3 = arith.constant 0 : index
    %swap3A_4 = vector.load %arg3[%swap3A, %swap3A_2, %swap3A_3] : memref<1x64x1024xf32, #tpu.memory_space<vmem>>, vector<1x64x1024xf32>
    tpu.vector_store %arg3[%swap3A, %swap3A_2, %swap3A_3], %broadcast_in_dim3A {strides = array<i32>} : memref<1x64x1024xf32, #tpu.memory_space<vmem>>, vector<1x64x1024xf32>,
    %eq3A = arith.constant 0 : i32
    %eq3A_5 = arith.cmpi eq, %arg0, %eq3A : i32
    %convert_element_type3A = arith.extui %eq3A_5 : i1 to i32
    %cond3A = arith.constant 0 : i32
    %cond3A_6 = arith.cmpi ne, %convert_element_type3A, %cond3A : i32
    scf.if %cond3A_6 {
      %swap3A_25 = arith.constant 0.000000e+00 : f32
      %swap3A_26 = arith.constant 0 : index
      %swap3A_27 = arith.constant 0 : index
      %swap3A_28 = memref.load %arg5[%swap3A_26, %swap3A_27] : memref<1x1xf32, #tpu.memory_space<smem>>
      memref.store %swap3A_25, %arg5[%swap3A_26, %swap3A_27] : memref<1x1xf32, #tpu.memory_space<smem>>
    } else {
    }
    %get3A_7 = arith.constant 0 : index
    %get3A_8 = arith.constant 0 : index
    %get3A_9 = memref.load %arg5[%get3A_7, %get3A_8] : memref<1x1xf32, #tpu.memory_space<smem>>
    %get3A_10 = arith.constant 0 : index
    %get3A_11 = arith.constant 0 : index
    %get3A_12 = vector.load %arg2[%get3A_10, %get3A_11] : memref<1024x64xf32, #tpu.memory_space<vmem>>, vector<1024x64xf32>
    %sub3A = arith.subf %get3A_1, %get3A_12 : vector<1024x64xf32>
    %integer_pow3A = arith.mulf %sub3A, %sub3A : vector<1024x64xf32>
    %reduce_sum3A = vector.shape_cast %integer_pow3A : vector<1024x64xf32> to vector<1x1024x64xf32>
    %reduce_sum3A_13 = arith.constant dense<0.000000e+00> : vector<1xf32>
    %reduce_sum3A_14 = vector.multi_reduction <add>, %reduce_sum3A, %reduce_sum3A_13 [1, 2] : vector<1x1024x64xf32> to vector<1xf32>
    %reduce_sum3A_15 = vector.shape_cast %reduce_sum3A_14 : vector<1xf32> to vector<1x1x1xf32>
    %reduce_sum3A_16 = vector.extract %reduce_sum3A_15[0, 0, 0] : f32 from vector<1x1x1xf32>
    %add3A = arith.addf %get3A_9, %reduce_sum3A_16 : f32
    %swap3A_17 = arith.constant 0 : index
    %swap3A_18 = arith.constant 0 : index
    %swap3A_19 = memref.load %arg5[%swap3A_17, %swap3A_18] : memref<1x1xf32, #tpu.memory_space<smem>>
    memref.store %add3A, %arg5[%swap3A_17, %swap3A_18] : memref<1x1xf32, #tpu.memory_space<smem>>
    %eq3A_20 = arith.constant 7 : i32
    %eq3A_21 = arith.cmpi eq, %arg0, %eq3A_20 : i32
    %convert_element_type3A_22 = arith.extui %eq3A_21 : i1 to i32
    %cond3A_23 = arith.constant 0 : i32
    %cond3A_24 = arith.cmpi ne, %convert_element_type3A_22, %cond3A_23 : i32
    scf.if %cond3A_24 {
      %get3A_25 = arith.constant 0 : index
      %get3A_26 = arith.constant 0 : index
      %get3A_27 = memref.load %arg5[%get3A_25, %get3A_26] : memref<1x1xf32, #tpu.memory_space<smem>>
      %mul3A = arith.constant 1.250000e+00 : f32
      %mul3A_28 = arith.mulf %mul3A, %get3A_27 : f32
      %div3A = arith.constant 5.242880e+05 : f32
      %div3A_29 = arith.divf %mul3A_28, %div3A : f32
      %broadcast_in_dim3A_30 = vector.broadcast %div3A_29 : f32 to vector<1x1xf32>
      %swap3A_31 = arith.constant 0 : index
      %swap3A_32 = arith.constant 0 : index
      %swap3A_33 = vector.load %arg4[%swap3A_31, %swap3A_32] : memref<1x1xf32, #tpu.memory_space<vmem>>, vector<1x1xf32>
      tpu.vector_store %arg4[%swap3A_31, %swap3A_32], %broadcast_in_dim3A_30 {strides = array<i32>} : memref<1x1xf32, #tpu.memory_space<vmem>>, vector<1x1xf32>,
    } else {
    }
    return
  }
  func.func @transform_0(%arg0: i32) -> (i32, i32) {
    %c0_i32 = arith.constant 0 : i32
    %c0_i32_0 = arith.constant 0 : i32
    return %arg0, %c0_i32 : i32, i32
  }
  func.func @transform_1(%arg0: i32) -> (i32, i32) {
    %c0_i32 = arith.constant 0 : i32
    %c0_i32_0 = arith.constant 0 : i32
    return %arg0, %c0_i32 : i32, i32
  }
  func.func @transform_2(%arg0: i32) -> (i32, i32, i32) {
    %c0_i32 = arith.constant 0 : i32
    %c0_i32_0 = arith.constant 0 : i32
    %c0_i32_1 = arith.constant 0 : i32
    return %arg0, %c0_i32, %c0_i32_0 : i32, i32, i32
  }
  func.func @transform_3(%arg0: i32) -> (i32, i32) {
    %c0_i32 = arith.constant 0 : i32
    %c0_i32_0 = arith.constant 0 : i32
    %c0_i32_1 = arith.constant 0 : i32
    return %c0_i32, %c0_i32_0 : i32, i32
  }
}

</mosaic_0001>

<sc_bundles>
// kernel: kernel.6.cloned.1.call-start
scs
__scs_entry_jumppad:
0x0: {  	(pc) =	sbr.rel $0x88, $3  }
0x1: {  	(tag) =	ssettag $0x0;
	lr =	simm.s32 $0x1  }
0x2: {  	[smem:$0x3F97] =	sst lr;
	_ =	strace $0xD0000000  }
0x3: {  	_ = 	snop  }
0x4: {  	_ = 	snop  }
0x5: {  	_ = 	snop  }
0x6: {  	_ = 	snop  }
0x7: {  	_ = 	snop  }
__scs_overlays_trampoline_lowered:
0x8: {  	[smem:$0x3FA6] =	sst s0  }
0x9: {  	[smem:$0x3FA7] =	sst s1  }
0xa: {  	[smem:$0x3FA8] =	sst s2  }
0xb: {  	[smem:$0x3FA9] =	sst s3  }
0xc: {  	[smem:$0x3FAA] =	sst s4  }
0xd: {  	[smem:$0x3FAB] =	sst s5  }
0xe: {  	[smem:$0x3FAC] =	sst s6  }
0xf: {  	[smem:$0x3FAD] =	sst s7  }
0x10: {  	[smem:$0x3FAE] =	sst s8  }
0x11: {  	[smem:$0x3FAF] =	sst s9;
	s0 =	simm.s32 @!p0 $0x0  }
0x12: {  	s1 =	sld [smem:$0x3F95];
	s0 =	simm.s32 @p0 $0x1  }
0x13: {  	[smem:$0x3FB0] =	sst s0;
	s0 =	simm.s32 @!p1 $0x0  }
0x14: {  	s2 =	sld [smem:$0x3F94];
	s0 =	simm.s32 @p1 $0x1  }
0x15: {  	[smem:$0x3FB1] =	sst s0;
	s0 =	simm.s32 @!p2 $0x0  }
0x16: {  	s3 =	sld [smem:$0x3FDB];
	s0 =	simm.s32 @p2 $0x1  }
0x17: {  	s4 =	simm.s32 $0x1BF5;
	[smem:$0x3FB3] =	sst s0  }
0x18: {  	s0 =	sld [smem:$0x3F96];
	_ =	swait.ge [sflag:s4], $0x0  }
0x19: {  	s7 =	sld [smem:$0x3F97]  }
0x1a: {  	s8 =	sadd.s32 $0xFFFFE003, lr  }
0x1b: {  	s9 =	sadd.s32 $0xFFFFFEF7, lr;
	s5 =	simm.s32 $0xFFFFFFFF;
	p2 =	slt.u32 s8, $0xFFFFF086  }
0x1c: {  	p1 =	slt.u32 s9, $0xF7A;
	s5 =	simm.s32 @!p2 $0x0  }
0x1d: {  	s5 =	simm.s32 @p1 $0x1;
	p0 =	seq.s32 s7, s2  }
0x1e: {  	s7 =	smul.u32 @!p0 $0xF7A, s2;
	p2 =	seq.s32 @!p0 s5, $0x0  }
0x1f: {  	s9 =	smul.u32 $0xF7A, s1;
	s8 =	simm.s32 @!p0 $0x1BF5;
	p2 =	por !p2, p0  }
0x20: {  	[sflag:s8] =	ssyncset.s32 @!p0 $0xFFFFF086;
	s6 =	sadd.s32 @!p0 s3, s7;
	s7 =	simm.s32 @!p0 $0x108  }
0x21: {  	s3 =	sadd.s32 s3, s9;
	s6 =	sadd.s32 @!p0 $0x88, s6;
	s7 =	simm.s32 @p2 $0x1082  }
0x22: {  	[simem:s7], [sflag:s8] =	dma.local @!p0 [hbm:s6], $0xF7A  }
0x23: {  	s9 =	sor.u32 $0xD0000000, s2;
	s6 =	simm.s32 $0x108;
	_ =	swait.ge @!p0 [sflag:s8], $0x0  }
0x24: {  	s3 =	sadd.s32 $0x88, s3;
	s6 =	simm.s32 @!p1 $0x1082;
	[sflag:s4] =	ssyncset.s32 $0xFFFFF086  }
0x25: {  	[simem:s6], [sflag:s4] =	dma.local [hbm:s3], $0xF7A  }
0x26: {  	[smem:$0x3F97] =	sst s1;
	(tag) =	ssettag s2;
	_ =	strace s9  }
0x27: {  	s1 =	sld [smem:$0x3FA7]  }
0x28: {  	s2 =	sld [smem:$0x3FA8]  }
0x29: {  	s4 =	sld [smem:$0x3FAA]  }
0x2a: {  	p0 =	seq.s32 s5, $0x0;
	s5 =	sld [smem:$0x3FAB]  }
0x2b: {  	s6 =	sld [smem:$0x3FAC]  }
0x2c: {  	s7 =	sld [smem:$0x3FAD]  }
0x2d: {  	s3 =	simm.s32 $0x108;
	s8 =	sld [smem:$0x3FAE]  }
0x2e: {  	s3 =	simm.s32 @!p0 $0x1082;
	s9 =	sld [smem:$0x3FAF]  }
0x2f: {  	lr =	sadd.s32 s0, s3;
	s0 =	sld [smem:$0x3FA6]  }
0x30: {  	s3 =	sld [smem:$0x3FA9]  }
0x31: {  	[smem:$0x3FB2] =	sst s10  }
0x32: {  	s10 =	sld [smem:$0x3FB0];
	_ =	sdelay $0x3  }
0x33: {  	p0 =	seq.s32 s10, $0x1;
	s10 =	sld [smem:$0x3FB2];
	_ =	sdelay $0x3  }
0x34: {  	[smem:$0x3FB2] =	sst s10  }
0x35: {  	s10 =	sld [smem:$0x3FB1];
	_ =	sdelay $0x3  }
0x36: {  	p1 =	seq.s32 s10, $0x1;
	s10 =	sld [smem:$0x3FB2];
	_ =	sdelay $0x3  }
0x37: {  	[smem:$0x3FB2] =	sst s10  }
0x38: {  	s10 =	sld [smem:$0x3FB3]  }
0x39: {  	_ = 	snop;
	(pc) =	sbr.ind lr, $3  }
0x3a: {  	_ = 	snop  }
0x3b: {  	_ = 	snop  }
0x3c: {  	p2 =	seq.s32 s10, $0x1;
	s10 =	sld [smem:$0x3FB2]  }
0x3d: {  	_ =	shalt  }
0x3e: {  	_ =	shalt  }
0x3f: {  	_ =	shalt  }
0x40: {  	_ =	shalt  }
0x41: {  	_ =	shalt  }
0x42: {  	_ =	shalt  }
0x43: {  	_ =	shalt  }
0x44: {  	_ =	shalt  }
0x45: {  	_ =	shalt  }
0x46: {  	_ =	shalt  }
0x47: {  	_ =	shalt  }
0x48: {  	_ =	shalt  }
0x49: {  	_ =	shalt  }
0x4a: {  	_ =	shalt  }
0x4b: {  	_ =	shalt  }
0x4c: {  	_ =	shalt  }
0x4d: {  	_ =	shalt  }
0x4e: {  	_ =	shalt  }
0x4f: {  	_ =	shalt  }
0x50: {  	_ =	shalt  }
0x51: {  	_ =	shalt  }
0x52: {  	_ =	shalt  }
0x53: {  	_ =	shalt  }
0x54: {  	_ =	shalt  }
0x55: {  	_ =	shalt  }
0x56: {  	_ =	shalt  }
0x57: {  	_ =	shalt  }
0x58: {  	_ =	shalt  }
0x59: {  	_ =	shalt  }
0x5a: {  	_ =	shalt  }
0x5b: {  	_ =	shalt  }
0x5c: {  	_ =	shalt  }
0x5d: {  	_ =	shalt  }
0x5e: {  	_ =	shalt  }
0x5f: {  	_ =	shalt  }
0x60: {  	_ =	shalt  }
0x61: {  	_ =	shalt  }
0x62: {  	_ =	shalt  }
0x63: {  	_ =	shalt  }
0x64: {  	_ =	shalt  }
0x65: {  	_ =	shalt  }
0x66: {  	_ =	shalt  }
0x67: {  	_ =	shalt  }
0x68: {  	_ =	shalt  }
0x69: {  	_ =	shalt  }
0x6a: {  	_ =	shalt  }
0x6b: {  	_ =	shalt  }
0x6c: {  	_ =	shalt  }
0x6d: {  	_ =	shalt  }
0x6e: {  	_ =	shalt  }
0x6f: {  	_ =	shalt  }
0x70: {  	_ =	shalt  }
0x71: {  	_ =	shalt  }
0x72: {  	_ =	shalt  }
0x73: {  	_ =	shalt  }
0x74: {  	_ =	shalt  }
0x75: {  	_ =	shalt  }
0x76: {  	_ =	shalt  }
0x77: {  	_ =	shalt  }
0x78: {  	_ =	shalt  }
0x79: {  	_ =	shalt  }
0x7a: {  	_ =	shalt  }
0x7b: {  	_ =	shalt  }
0x7c: {  	_ =	shalt  }
0x7d: {  	_ =	shalt  }
0x7e: {  	_ =	shalt  }
0x7f: {  	_ =	shalt  }
0x80: {  	_ =	shalt  }
0x81: {  	_ =	shalt  }
0x82: {  	_ =	shalt  }
0x83: {  	_ =	shalt  }
0x84: {  	_ =	shalt  }
0x85: {  	_ =	shalt  }
0x86: {  	_ =	shalt  }
0x87: {  	_ =	shalt  }
.Lfunc_end0:
.L_simem_size_0:
called_computation_lowered:
.L_overlay_start_0:
0x88: {  	s2 =	sld [smem:$0x3FD9]  }
0x89: {  	s3 =	sld [smem:$0x3FFE];
	_ =	sdelay $0x1  }
0x8a: {  	s1 =	srdreg.scid  }
0x8b: {  	s0 =	sand.u32 $0x1, s1  }
0x8c: {  	s14 =	sshll.u32 s0, $0xA;
	s2 =	sadd.s32 s3, s2  }
0x8d: {  	s2 =	sadd.s32 s2, s14  }
0x8e: {  	[smem:$0x3FBE] =	sst s2  }
0x8f: {  	_ = 	snop  }
0x90: {  	s2 =	sld [smem:$0x3FD0];
	_ =	sdelay $0x2  }
0x91: {  	s15 =	simm.s32 $0xA;
	s4 =	simm.s32 $0x10  }
0x92: {  	[smem:s4], [sflag:s15] =	dma.local [hbm:s2], $0x1  }
0x93: {  	_ =	swait.eq [sflag:s15], $0x1  }
0x94: {  	[sflag:s15] =	ssyncset.done $0x0  }
0x95: {  	s16 =	sld [smem:$0x11];
	[sflag:s15] =	ssyncadd.s32 $0xFFFFFFFF  }
0x96: {  	s17 =	sld [smem:$0x13];
	(tm) =	ssettm $0x1  }
0x97: {  	s18 =	sld [smem:$0x3FFB];
	_ =	sdelay $0x3  }
0x98: {  	_ =	strace s18  }
0x99: {  	s4 =	sld [smem:$0x3FFC];
	_ =	sdelay $0x3  }
0x9a: {  	_ =	strace s4  }
0x9b: {  	s4 =	sld [smem:$0x3FFD];
	_ =	sdelay $0x3  }
0x9c: {  	_ =	strace s4  }
0x9d: {  	_ =	strace $0x8FFFFFFF  }
0x9e: {  	s19 =	sld [smem:$0x3FDB];
	_ =	sdelay $0x1  }
0x9f: {  	s5 =	simm.s32 $_scs_section_size  }
0xa0: {  	s6 =	simm.s32 $_size__tile_overlayer_lowered;
	s7 =	simm.s32 $_tile_overlayer_lowered  }
0xa1: {  	s22 =	simm.s32 $0x1BFF;
	s21 =	sshll.u32 s7, $0x1;
	s4 =	sadd.s32 s5, s19  }
0xa2: {  	s8 =	simm.s32 $0x0;
	s20 =	sshll.u32 s6, $0x1;
	s6 =	sadd.s32 s21, s4  }
0xa3: {  	[timem:s8], [sflag:s22] =	dma.local [hbm:s6], s20  }
0xa4: {  	_ =	swait.ge [sflag:s22], s20  }
0xa5: {  	s5 =	ssub.s32 $0x0, s20;
	[sflag:s22] =	ssyncset.done $0x0  }
0xa6: {  	[sflag:s22] =	ssyncadd.s32 s5;
	_ =	sdelay $0x1  }
0xa7: {  	s23 =	simm.s32 $0x1B8B  }
0xa8: {  	_ =	swait.ge [sflag:s23], $0x1  }
0xa9: {  	[sflag:s23] =	ssyncset.done $0x0  }
0xaa: {  	s25 =	simm.s32 $0x1B8E;
	s24 =	sld [smem:$0x3FFE];
	[sflag:s23] =	ssyncadd.s32 $0xFFFFFFFF  }
0xab: {  	s26 =	simm.s32 $execute0_lowered;
	[smem:$0x3FD2] =	sst s25  }
0xac: {  	s6 =	sshll.u32 s26, $0x1;
	_ =	strace $0x80000046;
	[dreg:$0x1] =	wrdreg $0xFFFFFFFF  }
0xad: {  	s28 =	simm.s32 $_size_execute0_lowered;
	s4 =	sadd.s32 s4, s6;
	[dreg:$0x0] =	wrdreg $0x0  }
0xae: {  	s6 =	sshll.u32 s28, $0x1;
	[dreg:$0x2] =	wrdreg s4  }
0xaf: {  	[dreg:$0x3] =	wrdreg s6  }
0xb0: {  	[dreg:$0x4] =	wrdreg $0xC0  }
0xb1: {  	_ =	task [dreg:s8], $0x5FFFF  }
0xb2: {  	[dreg:$0x1] =	wrdreg $0xFFFFFFFF  }
0xb3: {  	[dreg:$0x0] =	wrdreg $0x60  }
0xb4: {  	[dreg:$0x2] =	wrdreg s24  }
0xb5: {  	[dreg:$0x3] =	wrdreg s17  }
0xb6: {  	[dreg:$0x4] =	wrdreg s16  }
0xb7: {  	[dreg:$0x5] =	wrdreg $0x9  }
0xb8: {  	_ =	task.clear_ibuf [dreg:s8], $0x6FFFF;
	_ =	strace $0x90000046  }
0xb9: {  	s29 =	simm.s32 $0x9;
	_ =	strace $0x80000048  }
0xba: {  	_ =	swait.ge [sflag:s29], $0x1  }
0xbb: {  	[sflag:s29] =	ssyncadd.s32 $0xFFFFFFFF  }
0xbc: {  	_ =	strace $0x90000048  }
0xbd: {  	_ =	sfence  }
0xbe: {  	s30 =	sld [smem:$0x0];
	_ =	sdelay $0x2  }
0xbf: {  	s31 =	sshll.u32 s1, $0xD;
	s1 =	sshrl.u32 s1, $0x2  }
0xc0: {  	s3 =	sand.u32 $0x4000, s31;
	s1 =	sadd.s32 s1, s30  }
0xc1: {  	s0 =	sor.u32 s3, s0;
	s1 =	sshll.u32 s1, $0x11  }
0xc2: {  	s0 =	sor.u32 s1, s0  }
0xc3: {  	s0 =	sadd.s32 $0x8F2B, s0  }
0xc4: {  	[sflag:s0] =	ssyncadd.remote.s32 $0x1  }
0xc5: {  	_ =	sfence.sel $0xFFFF  }
0xc6: {  	[dreg:$0x0] =	wrdreg $0xFFFFFFFF;
	(pc) =	sbr.abs _section_cstart, $3  }
0xc7: {  	[dreg:$0x1] =	wrdreg $0xFFFFFFFF  }
0xc8: {  	_ =	task.clear_ibuf [dreg:s8], $0x2FFFF;
	_ =	strace $0x9FFFFFFF  }
0xc9: {  	(tm) =	ssettm $0x7FFFFFFF  }
tec
execute0_lowered:
.L_overlay_start_1:
0x0: {  	(tag) =	ssettag $0x1  }
0x1: {  	s1 =	srdreg.scid  }
0x2: {  	s0 =	stileid.u32;
	s30 =	sand.u32 $0x1, s1  }
0x3: {  	s2 =	sshll.u32 s0, $0x9;
	s4 =	sshll.u32 s30, $0x8  }
0x4: {  	s31 =	sor.u32 s4, s2  }
0x5: {  	s3 =	rddreg [dreg:$0x1];
	s2 =	simm.s32 $0x0;
	s4 =	sshrl.u32 s31, $0x3  }
0x6: {  	[smem:$0x7FF] =	sst s2;
	s3 =	sadd.s32 s3, s4  }
0x7: {  	s5 =	rddreg [dreg:$0x0];
	_ =	strace $0x80000047;
	s4 =	sadd.s32 $0x4, s3  }
0x8: {  	[tilespmem:s2], [sflag:$0x9] =	stream.linear.gather [hbm4b:s3+s2], $0x20, $0x38;
	[tilespmem:$0x8400] =	vst v63  }
0x9: {  	s21 =	sadd.s32 $0x8, s3;
	[dreg:$0x4] =	wrdreg s4  }
0xa: {  	s22 =	sadd.s32 $0xC, s3;
	[dreg:$0x5] =	wrdreg s21  }
0xb: {  	s23 =	sadd.s32 $0x10, s3;
	[dreg:$0x6] =	wrdreg s22  }
0xc: {  	s24 =	sadd.s32 $0x14, s3;
	[dreg:$0x7] =	wrdreg s23  }
0xd: {  	s25 =	sadd.s32 $0x18, s3;
	[dreg:$0x8] =	wrdreg s24  }
0xe: {  	s26 =	sadd.s32 $0x1C, s3;
	[dreg:$0x9] =	wrdreg s25  }
0xf: {  	[dreg:$0xa] =	wrdreg s26;
	s4 =	simm.s32 $0x9  }
0x10: {  	_ =	swait.ge [sflag:s4], $0x20  }
0x11: {  	s6 =	simm.s32 $0x20;
	[sflag:s4] =	ssyncset.done $0x0  }
0x12: {  	s7 =	simm.s32 $0x400;
	s5 =	sadd.s32 $0xA00, s5;
	[sflag:s4] =	ssyncadd.s32 $0xFFFFFFE0  }
0x13: {  	[tilespmem:s7], [sflag:$0x1] =	stream.indirect.gather [hbm4b:s5+s6], $0x80, s2, s6, $0xb8;
	[tilespmem:$0x8400] =	vst v63  }
0x14: {  	s8 =	simm.s32 $0x80;
	s9 =	rddreg [dreg:$0x4]  }
0x15: {  	[tilespmem:s8], [sflag:$0x9] =	stream.linear.gather [hbm4b:s9+s2], $0x20, $0x38;
	[tilespmem:$0x8400] =	vst v63  }
0x16: {  	_ =	swait.ge [sflag:s4], $0x20  }
0x17: {  	[sflag:s4] =	ssyncset.done $0x0  }
0x18: {  	s9 =	simm.s32 $0x1400;
	[sflag:s4] =	ssyncadd.s32 $0xFFFFFFE0  }
0x19: {  	[tilespmem:s9], [sflag:$0x2] =	stream.indirect.gather [hbm4b:s5+s6], $0x80, s8, s6, $0xb8;
	[tilespmem:$0x8400] =	vst v63  }
0x1a: {  	s10 =	simm.s32 $0x100;
	s11 =	rddreg [dreg:$0x5]  }
0x1b: {  	[tilespmem:s10], [sflag:$0x9] =	stream.linear.gather [hbm4b:s11+s2], $0x20, $0x38;
	[tilespmem:$0x8400] =	vst v63  }
0x1c: {  	_ =	swait.ge [sflag:s4], $0x20  }
0x1d: {  	[sflag:s4] =	ssyncset.done $0x0  }
0x1e: {  	s11 =	simm.s32 $0x2400;
	[sflag:s4] =	ssyncadd.s32 $0xFFFFFFE0  }
0x1f: {  	[tilespmem:s11], [sflag:$0x3] =	stream.indirect.gather [hbm4b:s5+s6], $0x80, s10, s6, $0xb8;
	[tilespmem:$0x8400] =	vst v63  }
0x20: {  	s12 =	simm.s32 $0x180;
	s13 =	rddreg [dreg:$0x6]  }
0x21: {  	[tilespmem:s12], [sflag:$0x9] =	stream.linear.gather [hbm4b:s13+s2], $0x20, $0x38;
	[tilespmem:$0x8400] =	vst v63  }
0x22: {  	_ =	swait.ge [sflag:s4], $0x20  }
0x23: {  	[sflag:s4] =	ssyncset.done $0x0  }
0x24: {  	s13 =	simm.s32 $0x3400;
	[sflag:s4] =	ssyncadd.s32 $0xFFFFFFE0  }
0x25: {  	[tilespmem:s13], [sflag:$0x4] =	stream.indirect.gather [hbm4b:s5+s6], $0x80, s12, s6, $0xb8;
	[tilespmem:$0x8400] =	vst v63  }
0x26: {  	s14 =	simm.s32 $0x200;
	s15 =	rddreg [dreg:$0x7]  }
0x27: {  	[tilespmem:s14], [sflag:$0x9] =	stream.linear.gather [hbm4b:s15+s2], $0x20, $0x38;
	[tilespmem:$0x8400] =	vst v63  }
0x28: {  	_ =	swait.ge [sflag:s4], $0x20  }
0x29: {  	[sflag:s4] =	ssyncset.done $0x0  }
0x2a: {  	s15 =	simm.s32 $0x4400;
	[sflag:s4] =	ssyncadd.s32 $0xFFFFFFE0  }
0x2b: {  	[tilespmem:s15], [sflag:$0x5] =	stream.indirect.gather [hbm4b:s5+s6], $0x80, s14, s6, $0xb8;
	[tilespmem:$0x8400] =	vst v63  }
0x2c: {  	s16 =	simm.s32 $0x280;
	s17 =	rddreg [dreg:$0x8]  }
0x2d: {  	[tilespmem:s16], [sflag:$0x9] =	stream.linear.gather [hbm4b:s17+s2], $0x20, $0x38;
	[tilespmem:$0x8400] =	vst v63  }
0x2e: {  	_ =	swait.ge [sflag:s4], $0x20  }
0x2f: {  	[sflag:s4] =	ssyncset.done $0x0  }
0x30: {  	s17 =	simm.s32 $0x5400;
	[sflag:s4] =	ssyncadd.s32 $0xFFFFFFE0  }
0x31: {  	[tilespmem:s17], [sflag:$0x6] =	stream.indirect.gather [hbm4b:s5+s6], $0x80, s16, s6, $0xb8;
	[tilespmem:$0x8400] =	vst v63  }
0x32: {  	s18 =	simm.s32 $0x300;
	s19 =	rddreg [dreg:$0x9]  }
0x33: {  	[tilespmem:s18], [sflag:$0x9] =	stream.linear.gather [hbm4b:s19+s2], $0x20, $0x38;
	[tilespmem:$0x8400] =	vst v63  }
0x34: {  	_ =	swait.ge [sflag:s4], $0x20  }
0x35: {  	[sflag:s4] =	ssyncset.done $0x0  }
0x36: {  	s19 =	simm.s32 $0x6400;
	[sflag:s4] =	ssyncadd.s32 $0xFFFFFFE0  }
0x37: {  	[tilespmem:s19], [sflag:$0x7] =	stream.indirect.gather [hbm4b:s5+s6], $0x80, s18, s6, $0xb8;
	[tilespmem:$0x8400] =	vst v63  }
0x38: {  	s20 =	simm.s32 $0x380;
	s21 =	rddreg [dreg:$0xa]  }
0x39: {  	[tilespmem:s20], [sflag:$0x9] =	stream.linear.gather [hbm4b:s21+s2], $0x20, $0x38;
	[tilespmem:$0x8400] =	vst v63  }
0x3a: {  	_ =	swait.ge [sflag:s4], $0x20  }
0x3b: {  	[sflag:s4] =	ssyncset.done $0x0  }
0x3c: {  	s22 =	simm.s32 $0x1;
	s21 =	simm.s32 $0x7400;
	[sflag:s4] =	ssyncadd.s32 $0xFFFFFFE0  }
0x3d: {  	[tilespmem:s21], [sflag:$0x8] =	stream.indirect.gather [hbm4b:s5+s6], $0x80, s20, s6, $0xb8;
	[tilespmem:$0x8400] =	vst v63  }
0x3e: {  	_ =	swait.ge [sflag:s22], $0x1000  }
0x3f: {  	[sflag:s22] =	ssyncset.done $0x0  }
0x40: {  	s23 =	simm.s32 $0x2;
	[sflag:s22] =	ssyncadd.s32 $0xFFFFF000  }
0x41: {  	_ =	swait.ge [sflag:s23], $0x1000  }
0x42: {  	[sflag:s23] =	ssyncset.done $0x0  }
0x43: {  	s24 =	simm.s32 $0x3;
	[sflag:s23] =	ssyncadd.s32 $0xFFFFF000  }
0x44: {  	_ =	swait.ge [sflag:s24], $0x1000  }
0x45: {  	[sflag:s24] =	ssyncset.done $0x0  }
0x46: {  	s25 =	simm.s32 $0x4;
	[sflag:s24] =	ssyncadd.s32 $0xFFFFF000  }
0x47: {  	_ =	swait.ge [sflag:s25], $0x1000  }
0x48: {  	[sflag:s25] =	ssyncset.done $0x0  }
0x49: {  	s26 =	simm.s32 $0x5;
	[sflag:s25] =	ssyncadd.s32 $0xFFFFF000  }
0x4a: {  	_ =	swait.ge [sflag:s26], $0x1000  }
0x4b: {  	[sflag:s26] =	ssyncset.done $0x0  }
0x4c: {  	s28 =	simm.s32 $0x6;
	[sflag:s26] =	ssyncadd.s32 $0xFFFFF000  }
0x4d: {  	_ =	swait.ge [sflag:s28], $0x1000  }
0x4e: {  	[sflag:s28] =	ssyncset.done $0x0  }
0x4f: {  	s29 =	simm.s32 $0x7;
	[sflag:s28] =	ssyncadd.s32 $0xFFFFF000  }
0x50: {  	s0 =	ssub.s32 $0x2, s30;
	_ =	swait.ge [sflag:s29], $0x1000  }
0x51: {  	s1 =	sshrl.u32 s0, $0x1;
	[sflag:s29] =	ssyncset.done $0x0  }
0x52: {  	s30 =	simm.s32 $0x8;
	s0 =	ssub.s32 s0, s1;
	[sflag:s29] =	ssyncadd.s32 $0xFFFFF000  }
0x53: {  	s0 =	smax.u32 s0, $0x1;
	_ =	swait.ge [sflag:s30], $0x1000  }
0x54: {  	p0 =	sne.s32 s0, $0x1;
	[sflag:s30] =	ssyncset.done $0x0  }
.Ltmp0:
0x55: {  	s1 =	sshll.u32 s31, $0x4;
	s31 =	rddreg [dreg:$0x2];
	(pc) =	sbr.rel @!p0 .LBB2_2-.Ltmp0, $4  }
0x56: {  	[sflag:s30] =	ssyncadd.s32 $0xFFFFF000;
	s31 =	sadd.s32 s31, s1  }
0x57: {  	[hbm4b:s31+s2] =	stream.linear.scatter [tilespmem:s7], [sflag:$0x9], $0x8000, $0x38;
	[tilespmem:$0x8400] =	vst v63  }
0x58: {  	_ =	swait.ge [sflag:s4], $0x8000  }
0x59: {  	s1 =	sadd.s32 $0xFFFFFFFF, s0;
	[sflag:s4] =	ssyncset.done $0x0  }
.LBB2_1:
0x5a: {  	[sflag:s4] =	ssyncadd.s32 $0xFFFF8000  }
0x5b: {  	[tilespmem:s2], [sflag:$0x9] =	stream.linear.gather [hbm4b:s3+s2], $0x20, $0x38;
	[tilespmem:$0x8400] =	vst v63  }
0x5c: {  	_ =	swait.ge [sflag:s4], $0x20  }
0x5d: {  	[sflag:s4] =	ssyncset.done $0x0  }
0x5e: {  	[sflag:s4] =	ssyncadd.s32 $0xFFFFFFE0  }
0x5f: {  	[tilespmem:s7], [sflag:$0x1] =	stream.indirect.gather [hbm4b:s5+s6], $0x80, s2, s6, $0xb8;
	[tilespmem:$0x8400] =	vst v63  }
0x60: {  	s0 =	rddreg [dreg:$0x4]  }
0x61: {  	[tilespmem:s8], [sflag:$0x9] =	stream.linear.gather [hbm4b:s0+s2], $0x20, $0x38;
	[tilespmem:$0x8400] =	vst v63  }
0x62: {  	_ =	swait.ge [sflag:s4], $0x20  }
0x63: {  	[sflag:s4] =	ssyncset.done $0x0  }
0x64: {  	[sflag:s4] =	ssyncadd.s32 $0xFFFFFFE0  }
0x65: {  	[tilespmem:s9], [sflag:$0x2] =	stream.indirect.gather [hbm4b:s5+s6], $0x80, s8, s6, $0xb8;
	[tilespmem:$0x8400] =	vst v63  }
0x66: {  	s0 =	rddreg [dreg:$0x5]  }
0x67: {  	[tilespmem:s10], [sflag:$0x9] =	stream.linear.gather [hbm4b:s0+s2], $0x20, $0x38;
	[tilespmem:$0x8400] =	vst v63  }
0x68: {  	_ =	swait.ge [sflag:s4], $0x20  }
0x69: {  	[sflag:s4] =	ssyncset.done $0x0  }
0x6a: {  	[sflag:s4] =	ssyncadd.s32 $0xFFFFFFE0  }
0x6b: {  	[tilespmem:s11], [sflag:$0x3] =	stream.indirect.gather [hbm4b:s5+s6], $0x80, s10, s6, $0xb8;
	[tilespmem:$0x8400] =	vst v63  }
0x6c: {  	s0 =	rddreg [dreg:$0x6]  }
0x6d: {  	[tilespmem:s12], [sflag:$0x9] =	stream.linear.gather [hbm4b:s0+s2], $0x20, $0x38;
	[tilespmem:$0x8400] =	vst v63  }
0x6e: {  	_ =	swait.ge [sflag:s4], $0x20  }
0x6f: {  	[sflag:s4] =	ssyncset.done $0x0  }
0x70: {  	[sflag:s4] =	ssyncadd.s32 $0xFFFFFFE0  }
0x71: {  	[tilespmem:s13], [sflag:$0x4] =	stream.indirect.gather [hbm4b:s5+s6], $0x80, s12, s6, $0xb8;
	[tilespmem:$0x8400] =	vst v63  }
0x72: {  	s0 =	rddreg [dreg:$0x7]  }
0x73: {  	[tilespmem:s14], [sflag:$0x9] =	stream.linear.gather [hbm4b:s0+s2], $0x20, $0x38;
	[tilespmem:$0x8400] =	vst v63  }
0x74: {  	_ =	swait.ge [sflag:s4], $0x20  }
0x75: {  	[sflag:s4] =	ssyncset.done $0x0  }
0x76: {  	[sflag:s4] =	ssyncadd.s32 $0xFFFFFFE0  }
0x77: {  	[tilespmem:s15], [sflag:$0x5] =	stream.indirect.gather [hbm4b:s5+s6], $0x80, s14, s6, $0xb8;
	[tilespmem:$0x8400] =	vst v63  }
0x78: {  	s0 =	rddreg [dreg:$0x8]  }
0x79: {  	[tilespmem:s16], [sflag:$0x9] =	stream.linear.gather [hbm4b:s0+s2], $0x20, $0x38;
	[tilespmem:$0x8400] =	vst v63  }
0x7a: {  	_ =	swait.ge [sflag:s4], $0x20  }
0x7b: {  	[sflag:s4] =	ssyncset.done $0x0  }
0x7c: {  	[sflag:s4] =	ssyncadd.s32 $0xFFFFFFE0  }
0x7d: {  	[tilespmem:s17], [sflag:$0x6] =	stream.indirect.gather [hbm4b:s5+s6], $0x80, s16, s6, $0xb8;
	[tilespmem:$0x8400] =	vst v63  }
0x7e: {  	s0 =	rddreg [dreg:$0x9]  }
0x7f: {  	[tilespmem:s18], [sflag:$0x9] =	stream.linear.gather [hbm4b:s0+s2], $0x20, $0x38;
	[tilespmem:$0x8400] =	vst v63  }
0x80: {  	_ =	swait.ge [sflag:s4], $0x20  }
0x81: {  	[sflag:s4] =	ssyncset.done $0x0  }
0x82: {  	[sflag:s4] =	ssyncadd.s32 $0xFFFFFFE0  }
0x83: {  	[tilespmem:s19], [sflag:$0x7] =	stream.indirect.gather [hbm4b:s5+s6], $0x80, s18, s6, $0xb8;
	[tilespmem:$0x8400] =	vst v63  }
0x84: {  	s0 =	rddreg [dreg:$0xa]  }
0x85: {  	[tilespmem:s20], [sflag:$0x9] =	stream.linear.gather [hbm4b:s0+s2], $0x20, $0x38;
	[tilespmem:$0x8400] =	vst v63  }
0x86: {  	_ =	swait.ge [sflag:s4], $0x20  }
0x87: {  	[sflag:s4] =	ssyncset.done $0x0  }
0x88: {  	[sflag:s4] =	ssyncadd.s32 $0xFFFFFFE0  }
0x89: {  	[tilespmem:s21], [sflag:$0x8] =	stream.indirect.gather [hbm4b:s5+s6], $0x80, s20, s6, $0xb8;
	[tilespmem:$0x8400] =	vst v63  }
0x8a: {  	_ =	swait.ge [sflag:s22], $0x1000  }
0x8b: {  	[sflag:s22] =	ssyncset.done $0x0  }
0x8c: {  	[sflag:s22] =	ssyncadd.s32 $0xFFFFF000  }
0x8d: {  	_ =	swait.ge [sflag:s23], $0x1000  }
0x8e: {  	[sflag:s23] =	ssyncset.done $0x0  }
0x8f: {  	[sflag:s23] =	ssyncadd.s32 $0xFFFFF000  }
0x90: {  	_ =	swait.ge [sflag:s24], $0x1000  }
0x91: {  	[sflag:s24] =	ssyncset.done $0x0  }
0x92: {  	[sflag:s24] =	ssyncadd.s32 $0xFFFFF000  }
0x93: {  	_ =	swait.ge [sflag:s25], $0x1000  }
0x94: {  	[sflag:s25] =	ssyncset.done $0x0  }
0x95: {  	[sflag:s25] =	ssyncadd.s32 $0xFFFFF000  }
0x96: {  	_ =	swait.ge [sflag:s26], $0x1000  }
0x97: {  	[sflag:s26] =	ssyncset.done $0x0  }
0x98: {  	[sflag:s26] =	ssyncadd.s32 $0xFFFFF000  }
0x99: {  	_ =	swait.ge [sflag:s28], $0x1000  }
0x9a: {  	[sflag:s28] =	ssyncset.done $0x0  }
0x9b: {  	[sflag:s28] =	ssyncadd.s32 $0xFFFFF000  }
0x9c: {  	_ =	swait.ge [sflag:s29], $0x1000  }
0x9d: {  	[sflag:s29] =	ssyncset.done $0x0  }
0x9e: {  	[sflag:s29] =	ssyncadd.s32 $0xFFFFF000  }
0x9f: {  	p0 =	sne.s32 s1, $0x1;
	_ =	swait.ge [sflag:s30], $0x1000  }
.Ltmp1:
0xa0: {  	[sflag:s30] =	ssyncset.done $0x0;
	(pc) =	sbr.rel @p0 .LBB2_1-.Ltmp1, $4  }
0xa1: {  	[sflag:s30] =	ssyncadd.s32 $0xFFFFF000  }
0xa2: {  	[hbm4b:s31+s2] =	stream.linear.scatter [tilespmem:s7], [sflag:$0x9], $0x8000, $0x38;
	[tilespmem:$0x8400] =	vst v63  }
0xa3: {  	_ =	swait.ge [sflag:s4], $0x8000  }
0xa4: {  	s1 =	sadd.s32 $0xFFFFFFFF, s1;
	[sflag:s4] =	ssyncset.done $0x0  }
.LBB2_2:
0xa5: {  	[sflag:s4] =	ssyncadd.s32 $0xFFFF8000  }
0xa6: {  	_ =	sfence.sel $0x180000  }
0xa7: {  	[bflag:$0x0] =	sbarrier.arrive $0xFFFF  }
0xa8: {  	_ =	strace $0x90000047  }
0xa9: {  	s0 =	stileid.u32;
	[bflag:$0x2] =	sbarrier.arrive $0xFFFF  }
0xaa: {  	p0 =	sne.s32 s0, $0x0;
	s0 =	rddreg [dreg:$0x3]  }
0xab: {  	s0 =	sadd.s32 @!p0 $0x100000, s0  }
0xac: {  	[sflag:s0] =	ssyncadd.tile.s32 @!p0 $0x1;
	_ =	shalt  }
.Lfunc_end2:
_tile_overlayer_lowered:
.L_overlay_start_2:
0xad: {  	(tag) =	ssettag $0x2  }
0xae: {  	s0 =	rddreg [dreg:$0x0];
	s2 =	stileid.u32  }
0xaf: {  	s1 =	rddreg [dreg:$0x1];
	p0 =	sne.s32 s2, $0x0  }
0xb0: {  	s3 =	rddreg [dreg:$0x2];
	[bflag:$0x3] =	sbarrier.arrive $0xFFFF;
	s2 =	simm.s32 @!p0 $0x1C09  }
0xb1: {  	[timem:s3], [sflag:s2] =	dma.local @!p0 [hbm:s0], s1  }
0xb2: {  	s0 =	simm.s32 @!p0 $0x9  }
0xb3: {  	_ =	swait.ge @!p0 [sflag:s0], s1  }
0xb4: {  	s1 =	ssub.s32 @!p0 $0x0, s1;
	[sflag:s0] =	ssyncset.done @!p0 $0x0  }
0xb5: {  	[sflag:s0] =	ssyncadd.s32 @!p0 s1  }
0xb6: {  	[bflag:$0x3] =	sbarrier.arrive $0xFFFF  }
0xb7: {  	_ =	shalt  }

</sc_bundles>
